<compile_context>
chip_gen: v7x
topology: tpu7x:2x2x1
jax: 0.10.2.dev20260603
libtpu: 0.0.44.dev20260713+nightly
codegen_flags: <defaults>
</compile_context>

<pallas_src>
import functools
import math

import jax
import jax.numpy as jnp
from jax import lax
from jax.experimental import pallas as pl
from jax.experimental.pallas import tpu as pltpu
from jax.experimental.pallas import tpu_sc as plsc

NC = 2
NS = 16
CH = 120
NBMAX = 4
ZB = 40


def _dotT(a, w):
    return lax.dot_general(a, w, (((1,), (1,)), ((), ())),
                           preferred_element_type=jnp.float32)



@functools.partial(jax.jit, static_argnums=(4, 5, 6, 7))
def _sc_segment_sum(y_st, src3, dst3, zrows, n_nodes, w2, nch, nb):
    rpt = n_nodes // NS
    zb = ZB
    zparts = [zb] * (rpt // zb) + ([rpt % zb] if rpt % zb else [])
    dparts = [CH] * (rpt // CH) + ([rpt % CH] if rpt % CH else [])
    mesh = plsc.VectorSubcoreMesh(core_axis_name="c", subcore_axis_name="s",
                                  num_cores=NC, num_subcores=NS)

    @functools.partial(
        pl.kernel,
        out_type=jax.ShapeDtypeStruct((NC, n_nodes, w2), jnp.float32),
        mesh=mesh,
        scratch_types=[
            pltpu.VMEM((nch, CH), jnp.int32),
            pltpu.VMEM((nch, CH), jnp.int32),
            [pltpu.VMEM((CH, w2), jnp.float32)] * nb,
            pltpu.VMEM((zb, w2), jnp.float32),
            pltpu.VMEM_SHARED((n_nodes + 16, w2), jnp.float32),
            [pltpu.SemaphoreType.DMA] * nb,
            [pltpu.SemaphoreType.DMA] * nb,
        ],
        compiler_params=pltpu.CompilerParams(use_tc_tiling_on_sc=False),
    )
    def seg(y_hbm, src_hbm, dst_hbm, z_hbm, out_hbm,
            src_v, dst_v, rows, zbuf, acc, gsems, ssems):
        c = lax.axis_index("c")
        s = lax.axis_index("s")
        base = s * rpt
        pltpu.sync_copy(src_hbm.at[s], src_v)
        pltpu.sync_copy(dst_hbm.at[s], dst_v)
        tab = y_hbm.at[c]

        def gstart(j, b):
            pltpu.async_copy(tab.at[src_v.at[j]], rows[b], gsems[b])

        def gwait(b):
            pltpu.make_async_copy(tab.at[src_v.at[0]], rows[b],
                                  gsems[b]).wait()

        def sstart(j, b):
            pltpu.async_copy(rows[b], acc.at[dst_v.at[j]], ssems[b],
                             add=True)

        def swait(b):
            pltpu.make_async_copy(rows[b], acc.at[dst_v.at[0]],
                                  ssems[b]).wait()

        for b in range(nb):
            gstart(b, b)
        pltpu.sync_copy(z_hbm, zbuf)
        off = 0
        for sz in zparts:
            pltpu.sync_copy(zbuf.at[pl.ds(0, sz)],
                            acc.at[pl.ds(base + off, sz)])
            off += sz
        plsc.subcore_barrier()
        for b in range(nb):
            gwait(b)
            sstart(b, b)

        def body(p, carry):
            j0 = nb * p
            for b in range(nb):
                swait(b)
                gstart(j0 + b, b)
            for b in range(nb):
                gwait(b)
                sstart(j0 + b, b)
            return carry

        lax.fori_loop(1, nch // nb, body, 0)
        for b in range(nb):
            swait(b)
        plsc.subcore_barrier()
        off = 0
        for sz in dparts:
            pltpu.sync_copy(acc.at[pl.ds(base + off, sz)],
                            rows[0].at[pl.ds(0, sz)])
            pltpu.sync_copy(rows[0].at[pl.ds(0, sz)],
                            out_hbm.at[c, pl.ds(base + off, sz)])
            off += sz

    return seg(y_st, src3, dst3, zrows)



def _tc1_body(x_ref, wl_ref, wr_ref, y_ref, z_ref, *, d):
    xb = x_ref[...]
    y = _dotT(xb, wl_ref[...])
    b = xb.shape[0]
    w2 = (d + 16) // 2
    ones = jnp.ones((b, 16), jnp.float32)
    lo = y[:, :w2]
    hi = jnp.concatenate([y[:, w2:], ones], axis=1)
    y_ref[...] = jnp.stack([lo, hi])
    z_ref[...] = _dotT(xb, wr_ref[...])


def _tc2_body(agg_ref, z_ref, wl_ref, wr_ref, bl_ref, s_ref, b_ref,
              y_ref, zo_ref, inv_ref, *, d):
    w2 = (d + 16) // 2
    dcol = d - w2
    alo = agg_ref[0]
    ahi = agg_ref[1]
    deg = ahi[:, dcol:dcol + 1]
    inv = 1.0 / jnp.maximum(deg, 1.0)
    agg = jnp.concatenate([alo, ahi[:, :dcol]], axis=1)
    pre = agg * inv + bl_ref[...] + z_ref[...]
    h = jnp.maximum(pre * s_ref[...] + b_ref[...], 0.0)
    y = _dotT(h, wl_ref[...])
    hh = y.shape[1] // 2
    y_ref[...] = jnp.stack([y[:, :hh], y[:, hh:]])
    zo_ref[...] = _dotT(h, wr_ref[...])
    inv_ref[...] = jnp.broadcast_to(inv, (inv.shape[0], 8))


def _tc3_body(agg_ref, z_ref, inv_ref, wl_ref, wr_ref, bl_ref, s_ref, b_ref,
              y_ref, zo_ref):
    agg = jnp.concatenate([agg_ref[0], agg_ref[1]], axis=1)
    inv = inv_ref[:, :1]
    pre = agg * inv + bl_ref[...] + z_ref[...]
    h = jnp.maximum(pre * s_ref[...] + b_ref[...], 0.0)
    y = _dotT(h, wl_ref[...])
    hh = y.shape[1] // 2
    y_ref[...] = jnp.stack([y[:, :hh], y[:, hh:]])
    zo_ref[...] = _dotT(h, wr_ref[...])


def _tc4_body(agg_ref, z_ref, inv_ref, bl_ref, out_ref, *, c):
    o = jnp.concatenate([agg_ref[0], agg_ref[1]], axis=1)
    inv = inv_ref[:, :1]
    o = o * inv + bl_ref[...] + z_ref[...]
    col = lax.broadcasted_iota(jnp.int32, o.shape, 1)
    om = jnp.where(col < c, o, -jnp.inf)
    m = jnp.max(om, axis=1, keepdims=True)
    e = jnp.exp(om - m)
    ssum = jnp.sum(e, axis=1, keepdims=True)
    out_ref[...] = (o - m - jnp.log(ssum))[:, :c]


def _row_spec(bn, w):
    return pl.BlockSpec((bn, w), lambda i: (i, 0))


def _full_spec(shape):
    nz = (0,) * len(shape)
    return pl.BlockSpec(shape, lambda i: nz)


def _st_spec(bn, w2):
    return pl.BlockSpec((NC, bn, w2), lambda i: (0, i, 0))



def kernel(x, edge_index, Wl1, bl1, Wr1, g1, b1, Wl2, bl2, Wr2, g2, b2,
           Wl3, bl3, Wr3):
    n, d = x.shape
    h = Wl1.shape[0]
    c = Wl3.shape[0]
    cp = ((c + 15) // 16) * 16
    e = edge_index.shape[1]
    eps = 1e-5

    bn = 1000 if n % 1000 == 0 else n
    grid = (n // bn,)

    nch = NBMAX * (-(-e // (NBMAX * NS * CH)))
    epad = NS * CH * nch
    src = edge_index[0]
    dst = edge_index[1]
    if epad != e:
        r = jnp.arange(epad - e, dtype=jnp.int32)
        src = jnp.concatenate([src, r % 8])
        dst = jnp.concatenate([dst, n + (r % 16)])
    src3 = src.reshape(NS, nch, CH)
    dst3 = dst.reshape(NS, nch, CH)

    s1 = (g1 / math.sqrt(1.0 + eps))[None, :]
    s2 = (g2 / math.sqrt(1.0 + eps))[None, :]
    b1r, b2r = b1[None, :], b2[None, :]
    bl1r, bl2r = bl1[None, :], bl2[None, :]
    Wl3p = jnp.zeros((cp, h), jnp.float32).at[:c].set(Wl3)
    Wr3p = jnp.zeros((cp, h), jnp.float32).at[:c].set(Wr3)
    bl3p = jnp.zeros((1, cp), jnp.float32).at[0, :c].set(bl3)

    w1h = (d + 16) // 2
    z1h = jnp.zeros((ZB, w1h), jnp.float32)
    z2h = jnp.zeros((ZB, h // 2), jnp.float32)
    z3h = jnp.zeros((ZB, cp // 2), jnp.float32)

    y1, zl1 = pl.pallas_call(
        functools.partial(_tc1_body, d=d),
        grid=grid,
        in_specs=[_row_spec(bn, d), _full_spec((h, d)), _full_spec((h, d))],
        out_specs=[_st_spec(bn, w1h), _row_spec(bn, h)],
        out_shape=[jax.ShapeDtypeStruct((NC, n, w1h), jnp.float32),
                   jax.ShapeDtypeStruct((n, h), jnp.float32)],
    )(x, Wl1, Wr1)

    agg1 = _sc_segment_sum(y1, src3, dst3, z1h, n, w1h, nch, NBMAX)

    y2, zl2, inv8 = pl.pallas_call(
        functools.partial(_tc2_body, d=d),
        grid=grid,
        in_specs=[_st_spec(bn, w1h), _row_spec(bn, h),
                  _full_spec((h, h)), _full_spec((h, h)),
                  _full_spec((1, h)), _full_spec((1, h)), _full_spec((1, h))],
        out_specs=[_st_spec(bn, h // 2), _row_spec(bn, h), _row_spec(bn, 8)],
        out_shape=[jax.ShapeDtypeStruct((NC, n, h // 2), jnp.float32),
                   jax.ShapeDtypeStruct((n, h), jnp.float32),
                   jax.ShapeDtypeStruct((n, 8), jnp.float32)],
    )(agg1, zl1, Wl2, Wr2, bl1r, s1, b1r)

    agg2 = _sc_segment_sum(y2, src3, dst3, z2h, n, h // 2, nch, 6)

    y3, zl3 = pl.pallas_call(
        _tc3_body,
        grid=grid,
        in_specs=[_st_spec(bn, h // 2), _row_spec(bn, h), _row_spec(bn, 8),
                  _full_spec((cp, h)), _full_spec((cp, h)),
                  _full_spec((1, h)), _full_spec((1, h)), _full_spec((1, h))],
        out_specs=[_st_spec(bn, cp // 2), _row_spec(bn, cp)],
        out_shape=[jax.ShapeDtypeStruct((NC, n, cp // 2), jnp.float32),
                   jax.ShapeDtypeStruct((n, cp), jnp.float32)],
    )(agg2, zl2, inv8, Wl3p, Wr3p, bl2r, s2, b2r)

    agg3 = _sc_segment_sum(y3, src3, dst3, z3h, n, cp // 2, nch, 12)

    out = pl.pallas_call(
        functools.partial(_tc4_body, c=c),
        grid=grid,
        in_specs=[_st_spec(bn, cp // 2), _row_spec(bn, cp), _row_spec(bn, 8),
                  _full_spec((1, cp))],
        out_specs=_row_spec(bn, c),
        out_shape=jax.ShapeDtypeStruct((n, c), jnp.float32),
    )(agg3, zl3, inv8, bl3p)

    return out

# --- scband reference (transcript-rebuilt; emitter-appended) ---
"""Pipeline reference for scband-sage-ogb-90726889160781 (READ-ONLY COPY).

The authoritative reference and input builder live on the scoring server;
editing this copy changes nothing except your own understanding.
"""

import jax, jax.numpy as jnp
import numpy as np

N = 10000
E = 320000
D = 128
H = 128
C = 40


def _lin_init(key, out_c, in_c):
    bound = 1.0 / np.sqrt(in_c)
    return jax.random.uniform(key, (out_c, in_c), minval=-bound, maxval=bound, dtype=jnp.float32)


def setup_inputs(seed: int = 0):
    key = jax.random.key(seed)
    ks = jax.random.split(key, 20)
    inp = {}
    inp["x"] = jax.random.normal(ks[0], (N, D), dtype=jnp.float32)
    inp["edge_index"] = jax.random.randint(ks[1], (2, E), 0, N, dtype=jnp.int32)
    # layer 1: SAGEConv(D -> H): lin_l (with bias) applied to mean-aggregated neighbors, lin_r (no bias) to root
    inp["Wl1"] = _lin_init(ks[2], H, D)
    inp["bl1"] = jnp.zeros((H,), jnp.float32)
    inp["Wr1"] = _lin_init(ks[3], H, D)
    inp["g1"] = jnp.ones((H,), jnp.float32)
    inp["b1"] = jnp.zeros((H,), jnp.float32)
    # layer 2: SAGEConv(H -> H)
    inp["Wl2"] = _lin_init(ks[4], H, H)
    inp["bl2"] = jnp.zeros((H,), jnp.float32)
    inp["Wr2"] = _lin_init(ks[5], H, H)
    inp["g2"] = jnp.ones((H,), jnp.float32)
    inp["b2"] = jnp.zeros((H,), jnp.float32)
    # layer 3: SAGEConv(H -> C)
    inp["Wl3"] = _lin_init(ks[6], C, H)
    inp["bl3"] = jnp.zeros((C,), jnp.float32)
    inp["Wr3"] = _lin_init(ks[7], C, H)
    return inp


def _sage_conv(x, edge_index, Wl, bl, Wr):
    # message: x[src] gathered, mean-aggregated onto dst, then lin_l(agg) + lin_r(x)
    src = edge_index[0]
    dst = edge_index[1]
    n = x.shape[0]
    agg = jax.ops.segment_sum(x[src], dst, num_segments=n)
    deg = jax.ops.segment_sum(jnp.ones((edge_index.shape[1],), x.dtype), dst, num_segments=n)
    mean = agg / jnp.clip(deg, 1.0)[:, None]
    return mean @ Wl.T + bl + x @ Wr.T


def _bn_eval(x, g, b, eps=1e-5):
    # BatchNorm1d in eval mode with fresh running stats (mean=0, var=1)
    return x * (g / jnp.sqrt(1.0 + eps)) + b


def reference(x, edge_index, Wl1, bl1, Wr1, g1, b1, Wl2, bl2, Wr2, g2, b2, Wl3, bl3, Wr3):
    h = _sage_conv(x, edge_index, Wl1, bl1, Wr1)
    h = jax.nn.relu(_bn_eval(h, g1, b1))
    # dropout is identity in eval mode
    h = _sage_conv(h, edge_index, Wl2, bl2, Wr2)
    h = jax.nn.relu(_bn_eval(h, g2, b2))
    o = _sage_conv(h, edge_index, Wl3, bl3, Wr3)
    return jax.nn.log_softmax(o, axis=-1)

if __name__ == "__main__":
    import jax
    _d = setup_inputs()
    print(jax.jit(kernel)(*tuple(_d.values())))

</pallas_src>

<mosaic_0001>
#map = affine_map<(d0, d1) -> (0, 0, 0)>
#map1 = affine_map<(d0, d1) -> (0, 0)>
module attributes {stable_mosaic.version = 14 : i64} {
  func.func @seg(%arg0: i32, %arg1: i32, %arg2: memref<2x10000x72xf32, #tpu.memory_space<hbm>>, %arg3: memref<16x168x120xi32, #tpu.memory_space<hbm>>, %arg4: memref<16x168x120xi32, #tpu.memory_space<hbm>>, %arg5: memref<40x72xf32, #tpu.memory_space<hbm>>, %arg6: memref<2x10000x72xf32, #tpu.memory_space<hbm>>, %arg7: memref<168x120xi32, #tpu.memory_space<vmem>>, %arg8: memref<168x120xi32, #tpu.memory_space<vmem>>, %arg9: memref<120x72xf32, #tpu.memory_space<vmem>>, %arg10: memref<120x72xf32, #tpu.memory_space<vmem>>, %arg11: memref<120x72xf32, #tpu.memory_space<vmem>>, %arg12: memref<120x72xf32, #tpu.memory_space<vmem>>, %arg13: memref<40x72xf32, #tpu.memory_space<vmem>>, %arg14: memref<10016x72xf32, #tpu.memory_space<vmem_shared>>, %arg15: memref<!tpu.dma_semaphore, #tpu.memory_space<semaphore_mem>>, %arg16: memref<!tpu.dma_semaphore, #tpu.memory_space<semaphore_mem>>, %arg17: memref<!tpu.dma_semaphore, #tpu.memory_space<semaphore_mem>>, %arg18: memref<!tpu.dma_semaphore, #tpu.memory_space<semaphore_mem>>, %arg19: memref<!tpu.dma_semaphore, #tpu.memory_space<semaphore_mem>>, %arg20: memref<!tpu.dma_semaphore, #tpu.memory_space<semaphore_mem>>, %arg21: memref<!tpu.dma_semaphore, #tpu.memory_space<semaphore_mem>>, %arg22: memref<!tpu.dma_semaphore, #tpu.memory_space<semaphore_mem>>) attributes {dimension_semantics = [#tpu.dimension_semantics<core_parallel>, #tpu.dimension_semantics<subcore_parallel>], iteration_bounds = array<i64: 2, 16>, scalar_prefetch = 0 : i64, scratch_operands = 16 : i64, tpu.core_type = #tpu.core_type<sc_vector_subcore>, window_params = [{transform_indices = #map}, {transform_indices = #map}, {transform_indices = #map}, {transform_indices = #map1}, {transform_indices = #map}]} {
    %mul3A = arith.constant 625 : i32
    %mul3A_0 = arith.muli %arg1, %mul3A : i32
    "tpu.region"() ({
      %run_scoped3A = tpu.sem_alloc : memref<!tpu.dma_semaphore, #tpu.memory_space<semaphore_mem>>
      %dma_start3A_204 = arith.constant 0 : i32
      %dma_start3A_205 = arith.constant 0 : i32
      %dma_start3A_206 = tpu.memref_slice %arg3[%arg1, %dma_start3A_204, %dma_start3A_205] : memref<16x168x120xi32, #tpu.memory_space<hbm>> -> memref<1x168x120xi32, #tpu.memory_space<hbm>>
      %dma_start3A_207 = tpu.memref_squeeze %dma_start3A_206 : memref<1x168x120xi32, #tpu.memory_space<hbm>> -> memref<168x120xi32, #tpu.memory_space<hbm>>
      %dma_start3A_208 = arith.constant 0 : i32
      %dma_start3A_209 = arith.constant 0 : i32
      %dma_start3A_210 = tpu.memref_slice %arg3[%arg1, %dma_start3A_208, %dma_start3A_209] : memref<16x168x120xi32, #tpu.memory_space<hbm>> -> memref<1x168x120xi32, #tpu.memory_space<hbm>>
      %dma_start3A_211 = tpu.memref_squeeze %dma_start3A_210 : memref<1x168x120xi32, #tpu.memory_space<hbm>> -> memref<168x120xi32, #tpu.memory_space<hbm>>
      tpu.enqueue_dma source(%dma_start3A_211 : memref<168x120xi32, #tpu.memory_space<hbm>>) target(%arg7 : memref<168x120xi32, #tpu.memory_space<vmem>>) target_semaphore(%run_scoped3A : memref<!tpu.dma_semaphore, #tpu.memory_space<semaphore_mem>>)
      %dma_wait3A_212 = arith.constant 0 : i32
      %dma_wait3A_213 = arith.constant 0 : i32
      %dma_wait3A_214 = tpu.memref_slice %arg3[%arg1, %dma_wait3A_212, %dma_wait3A_213] : memref<16x168x120xi32, #tpu.memory_space<hbm>> -> memref<1x168x120xi32, #tpu.memory_space<hbm>>
      %dma_wait3A_215 = tpu.memref_squeeze %dma_wait3A_214 : memref<1x168x120xi32, #tpu.memory_space<hbm>> -> memref<168x120xi32, #tpu.memory_space<hbm>>
      %dma_wait3A_216 = arith.constant 0 : i32
      %dma_wait3A_217 = arith.constant 0 : i32
      %dma_wait3A_218 = tpu.memref_slice %arg3[%arg1, %dma_wait3A_216, %dma_wait3A_217] : memref<16x168x120xi32, #tpu.memory_space<hbm>> -> memref<1x168x120xi32, #tpu.memory_space<hbm>>
      %dma_wait3A_219 = tpu.memref_squeeze %dma_wait3A_218 : memref<1x168x120xi32, #tpu.memory_space<hbm>> -> memref<168x120xi32, #tpu.memory_space<hbm>>
      tpu.wait_dma2 semaphore(%run_scoped3A : memref<!tpu.dma_semaphore, #tpu.memory_space<semaphore_mem>>) src(%dma_wait3A_219 : memref<168x120xi32, #tpu.memory_space<hbm>>) dst(%arg7 : memref<168x120xi32, #tpu.memory_space<vmem>>)
      tpu.yield
    }) : () -> ()
    "tpu.region"() ({
      %run_scoped3A = tpu.sem_alloc : memref<!tpu.dma_semaphore, #tpu.memory_space<semaphore_mem>>
      %dma_start3A_204 = arith.constant 0 : i32
      %dma_start3A_205 = arith.constant 0 : i32
      %dma_start3A_206 = tpu.memref_slice %arg4[%arg1, %dma_start3A_204, %dma_start3A_205] : memref<16x168x120xi32, #tpu.memory_space<hbm>> -> memref<1x168x120xi32, #tpu.memory_space<hbm>>
      %dma_start3A_207 = tpu.memref_squeeze %dma_start3A_206 : memref<1x168x120xi32, #tpu.memory_space<hbm>> -> memref<168x120xi32, #tpu.memory_space<hbm>>
      %dma_start3A_208 = arith.constant 0 : i32
      %dma_start3A_209 = arith.constant 0 : i32
      %dma_start3A_210 = tpu.memref_slice %arg4[%arg1, %dma_start3A_208, %dma_start3A_209] : memref<16x168x120xi32, #tpu.memory_space<hbm>> -> memref<1x168x120xi32, #tpu.memory_space<hbm>>
      %dma_start3A_211 = tpu.memref_squeeze %dma_start3A_210 : memref<1x168x120xi32, #tpu.memory_space<hbm>> -> memref<168x120xi32, #tpu.memory_space<hbm>>
      tpu.enqueue_dma source(%dma_start3A_211 : memref<168x120xi32, #tpu.memory_space<hbm>>) target(%arg8 : memref<168x120xi32, #tpu.memory_space<vmem>>) target_semaphore(%run_scoped3A : memref<!tpu.dma_semaphore, #tpu.memory_space<semaphore_mem>>)
      %dma_wait3A_212 = arith.constant 0 : i32
      %dma_wait3A_213 = arith.constant 0 : i32
      %dma_wait3A_214 = tpu.memref_slice %arg4[%arg1, %dma_wait3A_212, %dma_wait3A_213] : memref<16x168x120xi32, #tpu.memory_space<hbm>> -> memref<1x168x120xi32, #tpu.memory_space<hbm>>
      %dma_wait3A_215 = tpu.memref_squeeze %dma_wait3A_214 : memref<1x168x120xi32, #tpu.memory_space<hbm>> -> memref<168x120xi32, #tpu.memory_space<hbm>>
      %dma_wait3A_216 = arith.constant 0 : i32
      %dma_wait3A_217 = arith.constant 0 : i32
      %dma_wait3A_218 = tpu.memref_slice %arg4[%arg1, %dma_wait3A_216, %dma_wait3A_217] : memref<16x168x120xi32, #tpu.memory_space<hbm>> -> memref<1x168x120xi32, #tpu.memory_space<hbm>>
      %dma_wait3A_219 = tpu.memref_squeeze %dma_wait3A_218 : memref<1x168x120xi32, #tpu.memory_space<hbm>> -> memref<168x120xi32, #tpu.memory_space<hbm>>
      tpu.wait_dma2 semaphore(%run_scoped3A : memref<!tpu.dma_semaphore, #tpu.memory_space<semaphore_mem>>) src(%dma_wait3A_219 : memref<168x120xi32, #tpu.memory_space<hbm>>) dst(%arg8 : memref<168x120xi32, #tpu.memory_space<vmem>>)
      tpu.yield
    }) : () -> ()
    %dma_start3A = arith.constant 0 : i32
    %dma_start3A_1 = arith.constant 0 : i32
    %dma_start3A_2 = tpu.memref_slice %arg7[%dma_start3A, %dma_start3A_1] : memref<168x120xi32, #tpu.memory_space<vmem>> -> memref<1x120xi32, #tpu.memory_space<vmem>>
    %dma_start3A_3 = tpu.memref_squeeze %dma_start3A_2 : memref<1x120xi32, #tpu.memory_space<vmem>> -> memref<120xi32, #tpu.memory_space<vmem>>
    %dma_start3A_4 = arith.constant 0 : i32
    %dma_start3A_5 = arith.constant 0 : i32
    %dma_start3A_6 = tpu.memref_slice %arg2[%arg0, %dma_start3A_4, %dma_start3A_5] : memref<2x10000x72xf32, #tpu.memory_space<hbm>> -> memref<1x10000x72xf32, #tpu.memory_space<hbm>>
    %dma_start3A_7 = tpu.memref_squeeze %dma_start3A_6 : memref<1x10000x72xf32, #tpu.memory_space<hbm>> -> memref<10000x72xf32, #tpu.memory_space<hbm>>
    %dma_start3A_8 = arith.constant 0 : i32
    %dma_start3A_9 = arith.constant 0 : i32
    %dma_start3A_10 = tpu.memref_slice %dma_start3A_7[%dma_start3A_8, %dma_start3A_9] : memref<10000x72xf32, #tpu.memory_space<hbm>> -> memref<10000x72xf32, #tpu.memory_space<hbm>>
    tpu.enqueue_indirect_dma source(%dma_start3A_10 : memref<10000x72xf32, #tpu.memory_space<hbm>>) target(%arg9 : memref<120x72xf32, #tpu.memory_space<vmem>>) offsets(%dma_start3A_3 : memref<120xi32, #tpu.memory_space<vmem>>) semaphore(%arg15 : memref<!tpu.dma_semaphore, #tpu.memory_space<semaphore_mem>>)
    %dma_start3A_11 = arith.constant 1 : i32
    %dma_start3A_12 = arith.constant 0 : i32
    %dma_start3A_13 = tpu.memref_slice %arg7[%dma_start3A_11, %dma_start3A_12] : memref<168x120xi32, #tpu.memory_space<vmem>> -> memref<1x120xi32, #tpu.memory_space<vmem>>
    %dma_start3A_14 = tpu.memref_squeeze %dma_start3A_13 : memref<1x120xi32, #tpu.memory_space<vmem>> -> memref<120xi32, #tpu.memory_space<vmem>>
    %dma_start3A_15 = arith.constant 0 : i32
    %dma_start3A_16 = arith.constant 0 : i32
    %dma_start3A_17 = tpu.memref_slice %arg2[%arg0, %dma_start3A_15, %dma_start3A_16] : memref<2x10000x72xf32, #tpu.memory_space<hbm>> -> memref<1x10000x72xf32, #tpu.memory_space<hbm>>
    %dma_start3A_18 = tpu.memref_squeeze %dma_start3A_17 : memref<1x10000x72xf32, #tpu.memory_space<hbm>> -> memref<10000x72xf32, #tpu.memory_space<hbm>>
    %dma_start3A_19 = arith.constant 0 : i32
    %dma_start3A_20 = arith.constant 0 : i32
    %dma_start3A_21 = tpu.memref_slice %dma_start3A_18[%dma_start3A_19, %dma_start3A_20] : memref<10000x72xf32, #tpu.memory_space<hbm>> -> memref<10000x72xf32, #tpu.memory_space<hbm>>
    tpu.enqueue_indirect_dma source(%dma_start3A_21 : memref<10000x72xf32, #tpu.memory_space<hbm>>) target(%arg10 : memref<120x72xf32, #tpu.memory_space<vmem>>) offsets(%dma_start3A_14 : memref<120xi32, #tpu.memory_space<vmem>>) semaphore(%arg16 : memref<!tpu.dma_semaphore, #tpu.memory_space<semaphore_mem>>)
    %dma_start3A_22 = arith.constant 2 : i32
    %dma_start3A_23 = arith.constant 0 : i32
    %dma_start3A_24 = tpu.memref_slice %arg7[%dma_start3A_22, %dma_start3A_23] : memref<168x120xi32, #tpu.memory_space<vmem>> -> memref<1x120xi32, #tpu.memory_space<vmem>>
    %dma_start3A_25 = tpu.memref_squeeze %dma_start3A_24 : memref<1x120xi32, #tpu.memory_space<vmem>> -> memref<120xi32, #tpu.memory_space<vmem>>
    %dma_start3A_26 = arith.constant 0 : i32
    %dma_start3A_27 = arith.constant 0 : i32
    %dma_start3A_28 = tpu.memref_slice %arg2[%arg0, %dma_start3A_26, %dma_start3A_27] : memref<2x10000x72xf32, #tpu.memory_space<hbm>> -> memref<1x10000x72xf32, #tpu.memory_space<hbm>>
    %dma_start3A_29 = tpu.memref_squeeze %dma_start3A_28 : memref<1x10000x72xf32, #tpu.memory_space<hbm>> -> memref<10000x72xf32, #tpu.memory_space<hbm>>
    %dma_start3A_30 = arith.constant 0 : i32
    %dma_start3A_31 = arith.constant 0 : i32
    %dma_start3A_32 = tpu.memref_slice %dma_start3A_29[%dma_start3A_30, %dma_start3A_31] : memref<10000x72xf32, #tpu.memory_space<hbm>> -> memref<10000x72xf32, #tpu.memory_space<hbm>>
    tpu.enqueue_indirect_dma source(%dma_start3A_32 : memref<10000x72xf32, #tpu.memory_space<hbm>>) target(%arg11 : memref<120x72xf32, #tpu.memory_space<vmem>>) offsets(%dma_start3A_25 : memref<120xi32, #tpu.memory_space<vmem>>) semaphore(%arg17 : memref<!tpu.dma_semaphore, #tpu.memory_space<semaphore_mem>>)
    %dma_start3A_33 = arith.constant 3 : i32
    %dma_start3A_34 = arith.constant 0 : i32
    %dma_start3A_35 = tpu.memref_slice %arg7[%dma_start3A_33, %dma_start3A_34] : memref<168x120xi32, #tpu.memory_space<vmem>> -> memref<1x120xi32, #tpu.memory_space<vmem>>
    %dma_start3A_36 = tpu.memref_squeeze %dma_start3A_35 : memref<1x120xi32, #tpu.memory_space<vmem>> -> memref<120xi32, #tpu.memory_space<vmem>>
    %dma_start3A_37 = arith.constant 0 : i32
    %dma_start3A_38 = arith.constant 0 : i32
    %dma_start3A_39 = tpu.memref_slice %arg2[%arg0, %dma_start3A_37, %dma_start3A_38] : memref<2x10000x72xf32, #tpu.memory_space<hbm>> -> memref<1x10000x72xf32, #tpu.memory_space<hbm>>
    %dma_start3A_40 = tpu.memref_squeeze %dma_start3A_39 : memref<1x10000x72xf32, #tpu.memory_space<hbm>> -> memref<10000x72xf32, #tpu.memory_space<hbm>>
    %dma_start3A_41 = arith.constant 0 : i32
    %dma_start3A_42 = arith.constant 0 : i32
    %dma_start3A_43 = tpu.memref_slice %dma_start3A_40[%dma_start3A_41, %dma_start3A_42] : memref<10000x72xf32, #tpu.memory_space<hbm>> -> memref<10000x72xf32, #tpu.memory_space<hbm>>
    tpu.enqueue_indirect_dma source(%dma_start3A_43 : memref<10000x72xf32, #tpu.memory_space<hbm>>) target(%arg12 : memref<120x72xf32, #tpu.memory_space<vmem>>) offsets(%dma_start3A_36 : memref<120xi32, #tpu.memory_space<vmem>>) semaphore(%arg18 : memref<!tpu.dma_semaphore, #tpu.memory_space<semaphore_mem>>)
    "tpu.region"() ({
      %run_scoped3A = tpu.sem_alloc : memref<!tpu.dma_semaphore, #tpu.memory_space<semaphore_mem>>
      tpu.enqueue_dma source(%arg5 : memref<40x72xf32, #tpu.memory_space<hbm>>) target(%arg13 : memref<40x72xf32, #tpu.memory_space<vmem>>) target_semaphore(%run_scoped3A : memref<!tpu.dma_semaphore, #tpu.memory_space<semaphore_mem>>)
      tpu.wait_dma2 semaphore(%run_scoped3A : memref<!tpu.dma_semaphore, #tpu.memory_space<semaphore_mem>>) src(%arg5 : memref<40x72xf32, #tpu.memory_space<hbm>>) dst(%arg13 : memref<40x72xf32, #tpu.memory_space<vmem>>)
      tpu.yield
    }) : () -> ()
    %add3A = arith.constant 0 : i32
    %add3A_44 = arith.addi %mul3A_0, %add3A : i32
    "tpu.region"() ({
      %run_scoped3A = tpu.sem_alloc : memref<!tpu.dma_semaphore, #tpu.memory_space<semaphore_mem>>
      %dma_start3A_204 = arith.constant 0 : i32
      %dma_start3A_205 = arith.constant 0 : i32
      %dma_start3A_206 = tpu.memref_slice %arg13[%dma_start3A_204, %dma_start3A_205] : memref<40x72xf32, #tpu.memory_space<vmem>> -> memref<40x72xf32, #tpu.memory_space<vmem>>
      %dma_start3A_207 = arith.constant 0 : i32
      %dma_start3A_208 = tpu.memref_slice %arg14[%add3A_44, %dma_start3A_207] : memref<10016x72xf32, #tpu.memory_space<vmem_shared>> -> memref<40x72xf32, #tpu.memory_space<vmem_shared>>
      %dma_start3A_209 = arith.constant 0 : i32
      %dma_start3A_210 = tpu.memref_slice %arg14[%add3A_44, %dma_start3A_209] : memref<10016x72xf32, #tpu.memory_space<vmem_shared>> -> memref<40x72xf32, #tpu.memory_space<vmem_shared>>
      %dma_start3A_211 = arith.constant 0 : i32
      %dma_start3A_212 = arith.constant 0 : i32
      %dma_start3A_213 = tpu.memref_slice %arg13[%dma_start3A_211, %dma_start3A_212] : memref<40x72xf32, #tpu.memory_space<vmem>> -> memref<40x72xf32, #tpu.memory_space<vmem>>
      tpu.enqueue_dma source(%dma_start3A_213 : memref<40x72xf32, #tpu.memory_space<vmem>>) target(%dma_start3A_210 : memref<40x72xf32, #tpu.memory_space<vmem_shared>>) target_semaphore(%run_scoped3A : memref<!tpu.dma_semaphore, #tpu.memory_space<semaphore_mem>>)
      %dma_wait3A_214 = arith.constant 0 : i32
      %dma_wait3A_215 = arith.constant 0 : i32
      %dma_wait3A_216 = tpu.memref_slice %arg13[%dma_wait3A_214, %dma_wait3A_215] : memref<40x72xf32, #tpu.memory_space<vmem>> -> memref<40x72xf32, #tpu.memory_space<vmem>>
      %dma_wait3A_217 = arith.constant 0 : i32
      %dma_wait3A_218 = tpu.memref_slice %arg14[%add3A_44, %dma_wait3A_217] : memref<10016x72xf32, #tpu.memory_space<vmem_shared>> -> memref<40x72xf32, #tpu.memory_space<vmem_shared>>
      %dma_wait3A_219 = arith.constant 0 : i32
      %dma_wait3A_220 = tpu.memref_slice %arg14[%add3A_44, %dma_wait3A_219] : memref<10016x72xf32, #tpu.memory_space<vmem_shared>> -> memref<40x72xf32, #tpu.memory_space<vmem_shared>>
      %dma_wait3A_221 = arith.constant 0 : i32
      %dma_wait3A_222 = arith.constant 0 : i32
      %dma_wait3A_223 = tpu.memref_slice %arg13[%dma_wait3A_221, %dma_wait3A_222] : memref<40x72xf32, #tpu.memory_space<vmem>> -> memref<40x72xf32, #tpu.memory_space<vmem>>
      tpu.wait_dma2 semaphore(%run_scoped3A : memref<!tpu.dma_semaphore, #tpu.memory_space<semaphore_mem>>) src(%dma_wait3A_223 : memref<40x72xf32, #tpu.memory_space<vmem>>) dst(%dma_wait3A_220 : memref<40x72xf32, #tpu.memory_space<vmem_shared>>)
      tpu.yield
    }) : () -> ()
    %add3A_45 = arith.constant 40 : i32
    %add3A_46 = arith.addi %mul3A_0, %add3A_45 : i32
    "tpu.region"() ({
      %run_scoped3A = tpu.sem_alloc : memref<!tpu.dma_semaphore, #tpu.memory_space<semaphore_mem>>
      %dma_start3A_204 = arith.constant 0 : i32
      %dma_start3A_205 = arith.constant 0 : i32
      %dma_start3A_206 = tpu.memref_slice %arg13[%dma_start3A_204, %dma_start3A_205] : memref<40x72xf32, #tpu.memory_space<vmem>> -> memref<40x72xf32, #tpu.memory_space<vmem>>
      %dma_start3A_207 = arith.constant 0 : i32
      %dma_start3A_208 = tpu.memref_slice %arg14[%add3A_46, %dma_start3A_207] : memref<10016x72xf32, #tpu.memory_space<vmem_shared>> -> memref<40x72xf32, #tpu.memory_space<vmem_shared>>
      %dma_start3A_209 = arith.constant 0 : i32
      %dma_start3A_210 = tpu.memref_slice %arg14[%add3A_46, %dma_start3A_209] : memref<10016x72xf32, #tpu.memory_space<vmem_shared>> -> memref<40x72xf32, #tpu.memory_space<vmem_shared>>
      %dma_start3A_211 = arith.constant 0 : i32
      %dma_start3A_212 = arith.constant 0 : i32
      %dma_start3A_213 = tpu.memref_slice %arg13[%dma_start3A_211, %dma_start3A_212] : memref<40x72xf32, #tpu.memory_space<vmem>> -> memref<40x72xf32, #tpu.memory_space<vmem>>
      tpu.enqueue_dma source(%dma_start3A_213 : memref<40x72xf32, #tpu.memory_space<vmem>>) target(%dma_start3A_210 : memref<40x72xf32, #tpu.memory_space<vmem_shared>>) target_semaphore(%run_scoped3A : memref<!tpu.dma_semaphore, #tpu.memory_space<semaphore_mem>>)
      %dma_wait3A_214 = arith.constant 0 : i32
      %dma_wait3A_215 = arith.constant 0 : i32
      %dma_wait3A_216 = tpu.memref_slice %arg13[%dma_wait3A_214, %dma_wait3A_215] : memref<40x72xf32, #tpu.memory_space<vmem>> -> memref<40x72xf32, #tpu.memory_space<vmem>>
      %dma_wait3A_217 = arith.constant 0 : i32
      %dma_wait3A_218 = tpu.memref_slice %arg14[%add3A_46, %dma_wait3A_217] : memref<10016x72xf32, #tpu.memory_space<vmem_shared>> -> memref<40x72xf32, #tpu.memory_space<vmem_shared>>
      %dma_wait3A_219 = arith.constant 0 : i32
      %dma_wait3A_220 = tpu.memref_slice %arg14[%add3A_46, %dma_wait3A_219] : memref<10016x72xf32, #tpu.memory_space<vmem_shared>> -> memref<40x72xf32, #tpu.memory_space<vmem_shared>>
      %dma_wait3A_221 = arith.constant 0 : i32
      %dma_wait3A_222 = arith.constant 0 : i32
      %dma_wait3A_223 = tpu.memref_slice %arg13[%dma_wait3A_221, %dma_wait3A_222] : memref<40x72xf32, #tpu.memory_space<vmem>> -> memref<40x72xf32, #tpu.memory_space<vmem>>
      tpu.wait_dma2 semaphore(%run_scoped3A : memref<!tpu.dma_semaphore, #tpu.memory_space<semaphore_mem>>) src(%dma_wait3A_223 : memref<40x72xf32, #tpu.memory_space<vmem>>) dst(%dma_wait3A_220 : memref<40x72xf32, #tpu.memory_space<vmem_shared>>)
      tpu.yield
    }) : () -> ()
    %add3A_47 = arith.constant 80 : i32
    %add3A_48 = arith.addi %mul3A_0, %add3A_47 : i32
    "tpu.region"() ({
      %run_scoped3A = tpu.sem_alloc : memref<!tpu.dma_semaphore, #tpu.memory_space<semaphore_mem>>
      %dma_start3A_204 = arith.constant 0 : i32
      %dma_start3A_205 = arith.constant 0 : i32
      %dma_start3A_206 = tpu.memref_slice %arg13[%dma_start3A_204, %dma_start3A_205] : memref<40x72xf32, #tpu.memory_space<vmem>> -> memref<40x72xf32, #tpu.memory_space<vmem>>
      %dma_start3A_207 = arith.constant 0 : i32
      %dma_start3A_208 = tpu.memref_slice %arg14[%add3A_48, %dma_start3A_207] : memref<10016x72xf32, #tpu.memory_space<vmem_shared>> -> memref<40x72xf32, #tpu.memory_space<vmem_shared>>
      %dma_start3A_209 = arith.constant 0 : i32
      %dma_start3A_210 = tpu.memref_slice %arg14[%add3A_48, %dma_start3A_209] : memref<10016x72xf32, #tpu.memory_space<vmem_shared>> -> memref<40x72xf32, #tpu.memory_space<vmem_shared>>
      %dma_start3A_211 = arith.constant 0 : i32
      %dma_start3A_212 = arith.constant 0 : i32
      %dma_start3A_213 = tpu.memref_slice %arg13[%dma_start3A_211, %dma_start3A_212] : memref<40x72xf32, #tpu.memory_space<vmem>> -> memref<40x72xf32, #tpu.memory_space<vmem>>
      tpu.enqueue_dma source(%dma_start3A_213 : memref<40x72xf32, #tpu.memory_space<vmem>>) target(%dma_start3A_210 : memref<40x72xf32, #tpu.memory_space<vmem_shared>>) target_semaphore(%run_scoped3A : memref<!tpu.dma_semaphore, #tpu.memory_space<semaphore_mem>>)
      %dma_wait3A_214 = arith.constant 0 : i32
      %dma_wait3A_215 = arith.constant 0 : i32
      %dma_wait3A_216 = tpu.memref_slice %arg13[%dma_wait3A_214, %dma_wait3A_215] : memref<40x72xf32, #tpu.memory_space<vmem>> -> memref<40x72xf32, #tpu.memory_space<vmem>>
      %dma_wait3A_217 = arith.constant 0 : i32
      %dma_wait3A_218 = tpu.memref_slice %arg14[%add3A_48, %dma_wait3A_217] : memref<10016x72xf32, #tpu.memory_space<vmem_shared>> -> memref<40x72xf32, #tpu.memory_space<vmem_shared>>
      %dma_wait3A_219 = arith.constant 0 : i32
      %dma_wait3A_220 = tpu.memref_slice %arg14[%add3A_48, %dma_wait3A_219] : memref<10016x72xf32, #tpu.memory_space<vmem_shared>> -> memref<40x72xf32, #tpu.memory_space<vmem_shared>>
      %dma_wait3A_221 = arith.constant 0 : i32
      %dma_wait3A_222 = arith.constant 0 : i32
      %dma_wait3A_223 = tpu.memref_slice %arg13[%dma_wait3A_221, %dma_wait3A_222] : memref<40x72xf32, #tpu.memory_space<vmem>> -> memref<40x72xf32, #tpu.memory_space<vmem>>
      tpu.wait_dma2 semaphore(%run_scoped3A : memref<!tpu.dma_semaphore, #tpu.memory_space<semaphore_mem>>) src(%dma_wait3A_223 : memref<40x72xf32, #tpu.memory_space<vmem>>) dst(%dma_wait3A_220 : memref<40x72xf32, #tpu.memory_space<vmem_shared>>)
      tpu.yield
    }) : () -> ()
    %add3A_49 = arith.constant 120 : i32
    %add3A_50 = arith.addi %mul3A_0, %add3A_49 : i32
    "tpu.region"() ({
      %run_scoped3A = tpu.sem_alloc : memref<!tpu.dma_semaphore, #tpu.memory_space<semaphore_mem>>
      %dma_start3A_204 = arith.constant 0 : i32
      %dma_start3A_205 = arith.constant 0 : i32
      %dma_start3A_206 = tpu.memref_slice %arg13[%dma_start3A_204, %dma_start3A_205] : memref<40x72xf32, #tpu.memory_space<vmem>> -> memref<40x72xf32, #tpu.memory_space<vmem>>
      %dma_start3A_207 = arith.constant 0 : i32
      %dma_start3A_208 = tpu.memref_slice %arg14[%add3A_50, %dma_start3A_207] : memref<10016x72xf32, #tpu.memory_space<vmem_shared>> -> memref<40x72xf32, #tpu.memory_space<vmem_shared>>
      %dma_start3A_209 = arith.constant 0 : i32
      %dma_start3A_210 = tpu.memref_slice %arg14[%add3A_50, %dma_start3A_209] : memref<10016x72xf32, #tpu.memory_space<vmem_shared>> -> memref<40x72xf32, #tpu.memory_space<vmem_shared>>
      %dma_start3A_211 = arith.constant 0 : i32
      %dma_start3A_212 = arith.constant 0 : i32
      %dma_start3A_213 = tpu.memref_slice %arg13[%dma_start3A_211, %dma_start3A_212] : memref<40x72xf32, #tpu.memory_space<vmem>> -> memref<40x72xf32, #tpu.memory_space<vmem>>
      tpu.enqueue_dma source(%dma_start3A_213 : memref<40x72xf32, #tpu.memory_space<vmem>>) target(%dma_start3A_210 : memref<40x72xf32, #tpu.memory_space<vmem_shared>>) target_semaphore(%run_scoped3A : memref<!tpu.dma_semaphore, #tpu.memory_space<semaphore_mem>>)
      %dma_wait3A_214 = arith.constant 0 : i32
      %dma_wait3A_215 = arith.constant 0 : i32
      %dma_wait3A_216 = tpu.memref_slice %arg13[%dma_wait3A_214, %dma_wait3A_215] : memref<40x72xf32, #tpu.memory_space<vmem>> -> memref<40x72xf32, #tpu.memory_space<vmem>>
      %dma_wait3A_217 = arith.constant 0 : i32
      %dma_wait3A_218 = tpu.memref_slice %arg14[%add3A_50, %dma_wait3A_217] : memref<10016x72xf32, #tpu.memory_space<vmem_shared>> -> memref<40x72xf32, #tpu.memory_space<vmem_shared>>
      %dma_wait3A_219 = arith.constant 0 : i32
      %dma_wait3A_220 = tpu.memref_slice %arg14[%add3A_50, %dma_wait3A_219] : memref<10016x72xf32, #tpu.memory_space<vmem_shared>> -> memref<40x72xf32, #tpu.memory_space<vmem_shared>>
      %dma_wait3A_221 = arith.constant 0 : i32
      %dma_wait3A_222 = arith.constant 0 : i32
      %dma_wait3A_223 = tpu.memref_slice %arg13[%dma_wait3A_221, %dma_wait3A_222] : memref<40x72xf32, #tpu.memory_space<vmem>> -> memref<40x72xf32, #tpu.memory_space<vmem>>
      tpu.wait_dma2 semaphore(%run_scoped3A : memref<!tpu.dma_semaphore, #tpu.memory_space<semaphore_mem>>) src(%dma_wait3A_223 : memref<40x72xf32, #tpu.memory_space<vmem>>) dst(%dma_wait3A_220 : memref<40x72xf32, #tpu.memory_space<vmem_shared>>)
      tpu.yield
    }) : () -> ()
    %add3A_51 = arith.constant 160 : i32
    %add3A_52 = arith.addi %mul3A_0, %add3A_51 : i32
    "tpu.region"() ({
      %run_scoped3A = tpu.sem_alloc : memref<!tpu.dma_semaphore, #tpu.memory_space<semaphore_mem>>
      %dma_start3A_204 = arith.constant 0 : i32
      %dma_start3A_205 = arith.constant 0 : i32
      %dma_start3A_206 = tpu.memref_slice %arg13[%dma_start3A_204, %dma_start3A_205] : memref<40x72xf32, #tpu.memory_space<vmem>> -> memref<40x72xf32, #tpu.memory_space<vmem>>
      %dma_start3A_207 = arith.constant 0 : i32
      %dma_start3A_208 = tpu.memref_slice %arg14[%add3A_52, %dma_start3A_207] : memref<10016x72xf32, #tpu.memory_space<vmem_shared>> -> memref<40x72xf32, #tpu.memory_space<vmem_shared>>
      %dma_start3A_209 = arith.constant 0 : i32
      %dma_start3A_210 = tpu.memref_slice %arg14[%add3A_52, %dma_start3A_209] : memref<10016x72xf32, #tpu.memory_space<vmem_shared>> -> memref<40x72xf32, #tpu.memory_space<vmem_shared>>
      %dma_start3A_211 = arith.constant 0 : i32
      %dma_start3A_212 = arith.constant 0 : i32
      %dma_start3A_213 = tpu.memref_slice %arg13[%dma_start3A_211, %dma_start3A_212] : memref<40x72xf32, #tpu.memory_space<vmem>> -> memref<40x72xf32, #tpu.memory_space<vmem>>
      tpu.enqueue_dma source(%dma_start3A_213 : memref<40x72xf32, #tpu.memory_space<vmem>>) target(%dma_start3A_210 : memref<40x72xf32, #tpu.memory_space<vmem_shared>>) target_semaphore(%run_scoped3A : memref<!tpu.dma_semaphore, #tpu.memory_space<semaphore_mem>>)
      %dma_wait3A_214 = arith.constant 0 : i32
      %dma_wait3A_215 = arith.constant 0 : i32
      %dma_wait3A_216 = tpu.memref_slice %arg13[%dma_wait3A_214, %dma_wait3A_215] : memref<40x72xf32, #tpu.memory_space<vmem>> -> memref<40x72xf32, #tpu.memory_space<vmem>>
      %dma_wait3A_217 = arith.constant 0 : i32
      %dma_wait3A_218 = tpu.memref_slice %arg14[%add3A_52, %dma_wait3A_217] : memref<10016x72xf32, #tpu.memory_space<vmem_shared>> -> memref<40x72xf32, #tpu.memory_space<vmem_shared>>
      %dma_wait3A_219 = arith.constant 0 : i32
      %dma_wait3A_220 = tpu.memref_slice %arg14[%add3A_52, %dma_wait3A_219] : memref<10016x72xf32, #tpu.memory_space<vmem_shared>> -> memref<40x72xf32, #tpu.memory_space<vmem_shared>>
      %dma_wait3A_221 = arith.constant 0 : i32
      %dma_wait3A_222 = arith.constant 0 : i32
      %dma_wait3A_223 = tpu.memref_slice %arg13[%dma_wait3A_221, %dma_wait3A_222] : memref<40x72xf32, #tpu.memory_space<vmem>> -> memref<40x72xf32, #tpu.memory_space<vmem>>
      tpu.wait_dma2 semaphore(%run_scoped3A : memref<!tpu.dma_semaphore, #tpu.memory_space<semaphore_mem>>) src(%dma_wait3A_223 : memref<40x72xf32, #tpu.memory_space<vmem>>) dst(%dma_wait3A_220 : memref<40x72xf32, #tpu.memory_space<vmem_shared>>)
      tpu.yield
    }) : () -> ()
    %add3A_53 = arith.constant 200 : i32
    %add3A_54 = arith.addi %mul3A_0, %add3A_53 : i32
    "tpu.region"() ({
      %run_scoped3A = tpu.sem_alloc : memref<!tpu.dma_semaphore, #tpu.memory_space<semaphore_mem>>
      %dma_start3A_204 = arith.constant 0 : i32
      %dma_start3A_205 = arith.constant 0 : i32
      %dma_start3A_206 = tpu.memref_slice %arg13[%dma_start3A_204, %dma_start3A_205] : memref<40x72xf32, #tpu.memory_space<vmem>> -> memref<40x72xf32, #tpu.memory_space<vmem>>
      %dma_start3A_207 = arith.constant 0 : i32
      %dma_start3A_208 = tpu.memref_slice %arg14[%add3A_54, %dma_start3A_207] : memref<10016x72xf32, #tpu.memory_space<vmem_shared>> -> memref<40x72xf32, #tpu.memory_space<vmem_shared>>
      %dma_start3A_209 = arith.constant 0 : i32
      %dma_start3A_210 = tpu.memref_slice %arg14[%add3A_54, %dma_start3A_209] : memref<10016x72xf32, #tpu.memory_space<vmem_shared>> -> memref<40x72xf32, #tpu.memory_space<vmem_shared>>
      %dma_start3A_211 = arith.constant 0 : i32
      %dma_start3A_212 = arith.constant 0 : i32
      %dma_start3A_213 = tpu.memref_slice %arg13[%dma_start3A_211, %dma_start3A_212] : memref<40x72xf32, #tpu.memory_space<vmem>> -> memref<40x72xf32, #tpu.memory_space<vmem>>
      tpu.enqueue_dma source(%dma_start3A_213 : memref<40x72xf32, #tpu.memory_space<vmem>>) target(%dma_start3A_210 : memref<40x72xf32, #tpu.memory_space<vmem_shared>>) target_semaphore(%run_scoped3A : memref<!tpu.dma_semaphore, #tpu.memory_space<semaphore_mem>>)
      %dma_wait3A_214 = arith.constant 0 : i32
      %dma_wait3A_215 = arith.constant 0 : i32
      %dma_wait3A_216 = tpu.memref_slice %arg13[%dma_wait3A_214, %dma_wait3A_215] : memref<40x72xf32, #tpu.memory_space<vmem>> -> memref<40x72xf32, #tpu.memory_space<vmem>>
      %dma_wait3A_217 = arith.constant 0 : i32
      %dma_wait3A_218 = tpu.memref_slice %arg14[%add3A_54, %dma_wait3A_217] : memref<10016x72xf32, #tpu.memory_space<vmem_shared>> -> memref<40x72xf32, #tpu.memory_space<vmem_shared>>
      %dma_wait3A_219 = arith.constant 0 : i32
      %dma_wait3A_220 = tpu.memref_slice %arg14[%add3A_54, %dma_wait3A_219] : memref<10016x72xf32, #tpu.memory_space<vmem_shared>> -> memref<40x72xf32, #tpu.memory_space<vmem_shared>>
      %dma_wait3A_221 = arith.constant 0 : i32
      %dma_wait3A_222 = arith.constant 0 : i32
      %dma_wait3A_223 = tpu.memref_slice %arg13[%dma_wait3A_221, %dma_wait3A_222] : memref<40x72xf32, #tpu.memory_space<vmem>> -> memref<40x72xf32, #tpu.memory_space<vmem>>
      tpu.wait_dma2 semaphore(%run_scoped3A : memref<!tpu.dma_semaphore, #tpu.memory_space<semaphore_mem>>) src(%dma_wait3A_223 : memref<40x72xf32, #tpu.memory_space<vmem>>) dst(%dma_wait3A_220 : memref<40x72xf32, #tpu.memory_space<vmem_shared>>)
      tpu.yield
    }) : () -> ()
    %add3A_55 = arith.constant 240 : i32
    %add3A_56 = arith.addi %mul3A_0, %add3A_55 : i32
    "tpu.region"() ({
      %run_scoped3A = tpu.sem_alloc : memref<!tpu.dma_semaphore, #tpu.memory_space<semaphore_mem>>
      %dma_start3A_204 = arith.constant 0 : i32
      %dma_start3A_205 = arith.constant 0 : i32
      %dma_start3A_206 = tpu.memref_slice %arg13[%dma_start3A_204, %dma_start3A_205] : memref<40x72xf32, #tpu.memory_space<vmem>> -> memref<40x72xf32, #tpu.memory_space<vmem>>
      %dma_start3A_207 = arith.constant 0 : i32
      %dma_start3A_208 = tpu.memref_slice %arg14[%add3A_56, %dma_start3A_207] : memref<10016x72xf32, #tpu.memory_space<vmem_shared>> -> memref<40x72xf32, #tpu.memory_space<vmem_shared>>
      %dma_start3A_209 = arith.constant 0 : i32
      %dma_start3A_210 = tpu.memref_slice %arg14[%add3A_56, %dma_start3A_209] : memref<10016x72xf32, #tpu.memory_space<vmem_shared>> -> memref<40x72xf32, #tpu.memory_space<vmem_shared>>
      %dma_start3A_211 = arith.constant 0 : i32
      %dma_start3A_212 = arith.constant 0 : i32
      %dma_start3A_213 = tpu.memref_slice %arg13[%dma_start3A_211, %dma_start3A_212] : memref<40x72xf32, #tpu.memory_space<vmem>> -> memref<40x72xf32, #tpu.memory_space<vmem>>
      tpu.enqueue_dma source(%dma_start3A_213 : memref<40x72xf32, #tpu.memory_space<vmem>>) target(%dma_start3A_210 : memref<40x72xf32, #tpu.memory_space<vmem_shared>>) target_semaphore(%run_scoped3A : memref<!tpu.dma_semaphore, #tpu.memory_space<semaphore_mem>>)
      %dma_wait3A_214 = arith.constant 0 : i32
      %dma_wait3A_215 = arith.constant 0 : i32
      %dma_wait3A_216 = tpu.memref_slice %arg13[%dma_wait3A_214, %dma_wait3A_215] : memref<40x72xf32, #tpu.memory_space<vmem>> -> memref<40x72xf32, #tpu.memory_space<vmem>>
      %dma_wait3A_217 = arith.constant 0 : i32
      %dma_wait3A_218 = tpu.memref_slice %arg14[%add3A_56, %dma_wait3A_217] : memref<10016x72xf32, #tpu.memory_space<vmem_shared>> -> memref<40x72xf32, #tpu.memory_space<vmem_shared>>
      %dma_wait3A_219 = arith.constant 0 : i32
      %dma_wait3A_220 = tpu.memref_slice %arg14[%add3A_56, %dma_wait3A_219] : memref<10016x72xf32, #tpu.memory_space<vmem_shared>> -> memref<40x72xf32, #tpu.memory_space<vmem_shared>>
      %dma_wait3A_221 = arith.constant 0 : i32
      %dma_wait3A_222 = arith.constant 0 : i32
      %dma_wait3A_223 = tpu.memref_slice %arg13[%dma_wait3A_221, %dma_wait3A_222] : memref<40x72xf32, #tpu.memory_space<vmem>> -> memref<40x72xf32, #tpu.memory_space<vmem>>
      tpu.wait_dma2 semaphore(%run_scoped3A : memref<!tpu.dma_semaphore, #tpu.memory_space<semaphore_mem>>) src(%dma_wait3A_223 : memref<40x72xf32, #tpu.memory_space<vmem>>) dst(%dma_wait3A_220 : memref<40x72xf32, #tpu.memory_space<vmem_shared>>)
      tpu.yield
    }) : () -> ()
    %add3A_57 = arith.constant 280 : i32
    %add3A_58 = arith.addi %mul3A_0, %add3A_57 : i32
    "tpu.region"() ({
      %run_scoped3A = tpu.sem_alloc : memref<!tpu.dma_semaphore, #tpu.memory_space<semaphore_mem>>
      %dma_start3A_204 = arith.constant 0 : i32
      %dma_start3A_205 = arith.constant 0 : i32
      %dma_start3A_206 = tpu.memref_slice %arg13[%dma_start3A_204, %dma_start3A_205] : memref<40x72xf32, #tpu.memory_space<vmem>> -> memref<40x72xf32, #tpu.memory_space<vmem>>
      %dma_start3A_207 = arith.constant 0 : i32
      %dma_start3A_208 = tpu.memref_slice %arg14[%add3A_58, %dma_start3A_207] : memref<10016x72xf32, #tpu.memory_space<vmem_shared>> -> memref<40x72xf32, #tpu.memory_space<vmem_shared>>
      %dma_start3A_209 = arith.constant 0 : i32
      %dma_start3A_210 = tpu.memref_slice %arg14[%add3A_58, %dma_start3A_209] : memref<10016x72xf32, #tpu.memory_space<vmem_shared>> -> memref<40x72xf32, #tpu.memory_space<vmem_shared>>
      %dma_start3A_211 = arith.constant 0 : i32
      %dma_start3A_212 = arith.constant 0 : i32
      %dma_start3A_213 = tpu.memref_slice %arg13[%dma_start3A_211, %dma_start3A_212] : memref<40x72xf32, #tpu.memory_space<vmem>> -> memref<40x72xf32, #tpu.memory_space<vmem>>
      tpu.enqueue_dma source(%dma_start3A_213 : memref<40x72xf32, #tpu.memory_space<vmem>>) target(%dma_start3A_210 : memref<40x72xf32, #tpu.memory_space<vmem_shared>>) target_semaphore(%run_scoped3A : memref<!tpu.dma_semaphore, #tpu.memory_space<semaphore_mem>>)
      %dma_wait3A_214 = arith.constant 0 : i32
      %dma_wait3A_215 = arith.constant 0 : i32
      %dma_wait3A_216 = tpu.memref_slice %arg13[%dma_wait3A_214, %dma_wait3A_215] : memref<40x72xf32, #tpu.memory_space<vmem>> -> memref<40x72xf32, #tpu.memory_space<vmem>>
      %dma_wait3A_217 = arith.constant 0 : i32
      %dma_wait3A_218 = tpu.memref_slice %arg14[%add3A_58, %dma_wait3A_217] : memref<10016x72xf32, #tpu.memory_space<vmem_shared>> -> memref<40x72xf32, #tpu.memory_space<vmem_shared>>
      %dma_wait3A_219 = arith.constant 0 : i32
      %dma_wait3A_220 = tpu.memref_slice %arg14[%add3A_58, %dma_wait3A_219] : memref<10016x72xf32, #tpu.memory_space<vmem_shared>> -> memref<40x72xf32, #tpu.memory_space<vmem_shared>>
      %dma_wait3A_221 = arith.constant 0 : i32
      %dma_wait3A_222 = arith.constant 0 : i32
      %dma_wait3A_223 = tpu.memref_slice %arg13[%dma_wait3A_221, %dma_wait3A_222] : memref<40x72xf32, #tpu.memory_space<vmem>> -> memref<40x72xf32, #tpu.memory_space<vmem>>
      tpu.wait_dma2 semaphore(%run_scoped3A : memref<!tpu.dma_semaphore, #tpu.memory_space<semaphore_mem>>) src(%dma_wait3A_223 : memref<40x72xf32, #tpu.memory_space<vmem>>) dst(%dma_wait3A_220 : memref<40x72xf32, #tpu.memory_space<vmem_shared>>)
      tpu.yield
    }) : () -> ()
    %add3A_59 = arith.constant 320 : i32
    %add3A_60 = arith.addi %mul3A_0, %add3A_59 : i32
    "tpu.region"() ({
      %run_scoped3A = tpu.sem_alloc : memref<!tpu.dma_semaphore, #tpu.memory_space<semaphore_mem>>
      %dma_start3A_204 = arith.constant 0 : i32
      %dma_start3A_205 = arith.constant 0 : i32
      %dma_start3A_206 = tpu.memref_slice %arg13[%dma_start3A_204, %dma_start3A_205] : memref<40x72xf32, #tpu.memory_space<vmem>> -> memref<40x72xf32, #tpu.memory_space<vmem>>
      %dma_start3A_207 = arith.constant 0 : i32
      %dma_start3A_208 = tpu.memref_slice %arg14[%add3A_60, %dma_start3A_207] : memref<10016x72xf32, #tpu.memory_space<vmem_shared>> -> memref<40x72xf32, #tpu.memory_space<vmem_shared>>
      %dma_start3A_209 = arith.constant 0 : i32
      %dma_start3A_210 = tpu.memref_slice %arg14[%add3A_60, %dma_start3A_209] : memref<10016x72xf32, #tpu.memory_space<vmem_shared>> -> memref<40x72xf32, #tpu.memory_space<vmem_shared>>
      %dma_start3A_211 = arith.constant 0 : i32
      %dma_start3A_212 = arith.constant 0 : i32
      %dma_start3A_213 = tpu.memref_slice %arg13[%dma_start3A_211, %dma_start3A_212] : memref<40x72xf32, #tpu.memory_space<vmem>> -> memref<40x72xf32, #tpu.memory_space<vmem>>
      tpu.enqueue_dma source(%dma_start3A_213 : memref<40x72xf32, #tpu.memory_space<vmem>>) target(%dma_start3A_210 : memref<40x72xf32, #tpu.memory_space<vmem_shared>>) target_semaphore(%run_scoped3A : memref<!tpu.dma_semaphore, #tpu.memory_space<semaphore_mem>>)
      %dma_wait3A_214 = arith.constant 0 : i32
      %dma_wait3A_215 = arith.constant 0 : i32
      %dma_wait3A_216 = tpu.memref_slice %arg13[%dma_wait3A_214, %dma_wait3A_215] : memref<40x72xf32, #tpu.memory_space<vmem>> -> memref<40x72xf32, #tpu.memory_space<vmem>>
      %dma_wait3A_217 = arith.constant 0 : i32
      %dma_wait3A_218 = tpu.memref_slice %arg14[%add3A_60, %dma_wait3A_217] : memref<10016x72xf32, #tpu.memory_space<vmem_shared>> -> memref<40x72xf32, #tpu.memory_space<vmem_shared>>
      %dma_wait3A_219 = arith.constant 0 : i32
      %dma_wait3A_220 = tpu.memref_slice %arg14[%add3A_60, %dma_wait3A_219] : memref<10016x72xf32, #tpu.memory_space<vmem_shared>> -> memref<40x72xf32, #tpu.memory_space<vmem_shared>>
      %dma_wait3A_221 = arith.constant 0 : i32
      %dma_wait3A_222 = arith.constant 0 : i32
      %dma_wait3A_223 = tpu.memref_slice %arg13[%dma_wait3A_221, %dma_wait3A_222] : memref<40x72xf32, #tpu.memory_space<vmem>> -> memref<40x72xf32, #tpu.memory_space<vmem>>
      tpu.wait_dma2 semaphore(%run_scoped3A : memref<!tpu.dma_semaphore, #tpu.memory_space<semaphore_mem>>) src(%dma_wait3A_223 : memref<40x72xf32, #tpu.memory_space<vmem>>) dst(%dma_wait3A_220 : memref<40x72xf32, #tpu.memory_space<vmem_shared>>)
      tpu.yield
    }) : () -> ()
    %add3A_61 = arith.constant 360 : i32
    %add3A_62 = arith.addi %mul3A_0, %add3A_61 : i32
    "tpu.region"() ({
      %run_scoped3A = tpu.sem_alloc : memref<!tpu.dma_semaphore, #tpu.memory_space<semaphore_mem>>
      %dma_start3A_204 = arith.constant 0 : i32
      %dma_start3A_205 = arith.constant 0 : i32
      %dma_start3A_206 = tpu.memref_slice %arg13[%dma_start3A_204, %dma_start3A_205] : memref<40x72xf32, #tpu.memory_space<vmem>> -> memref<40x72xf32, #tpu.memory_space<vmem>>
      %dma_start3A_207 = arith.constant 0 : i32
      %dma_start3A_208 = tpu.memref_slice %arg14[%add3A_62, %dma_start3A_207] : memref<10016x72xf32, #tpu.memory_space<vmem_shared>> -> memref<40x72xf32, #tpu.memory_space<vmem_shared>>
      %dma_start3A_209 = arith.constant 0 : i32
      %dma_start3A_210 = tpu.memref_slice %arg14[%add3A_62, %dma_start3A_209] : memref<10016x72xf32, #tpu.memory_space<vmem_shared>> -> memref<40x72xf32, #tpu.memory_space<vmem_shared>>
      %dma_start3A_211 = arith.constant 0 : i32
      %dma_start3A_212 = arith.constant 0 : i32
      %dma_start3A_213 = tpu.memref_slice %arg13[%dma_start3A_211, %dma_start3A_212] : memref<40x72xf32, #tpu.memory_space<vmem>> -> memref<40x72xf32, #tpu.memory_space<vmem>>
      tpu.enqueue_dma source(%dma_start3A_213 : memref<40x72xf32, #tpu.memory_space<vmem>>) target(%dma_start3A_210 : memref<40x72xf32, #tpu.memory_space<vmem_shared>>) target_semaphore(%run_scoped3A : memref<!tpu.dma_semaphore, #tpu.memory_space<semaphore_mem>>)
      %dma_wait3A_214 = arith.constant 0 : i32
      %dma_wait3A_215 = arith.constant 0 : i32
      %dma_wait3A_216 = tpu.memref_slice %arg13[%dma_wait3A_214, %dma_wait3A_215] : memref<40x72xf32, #tpu.memory_space<vmem>> -> memref<40x72xf32, #tpu.memory_space<vmem>>
      %dma_wait3A_217 = arith.constant 0 : i32
      %dma_wait3A_218 = tpu.memref_slice %arg14[%add3A_62, %dma_wait3A_217] : memref<10016x72xf32, #tpu.memory_space<vmem_shared>> -> memref<40x72xf32, #tpu.memory_space<vmem_shared>>
      %dma_wait3A_219 = arith.constant 0 : i32
      %dma_wait3A_220 = tpu.memref_slice %arg14[%add3A_62, %dma_wait3A_219] : memref<10016x72xf32, #tpu.memory_space<vmem_shared>> -> memref<40x72xf32, #tpu.memory_space<vmem_shared>>
      %dma_wait3A_221 = arith.constant 0 : i32
      %dma_wait3A_222 = arith.constant 0 : i32
      %dma_wait3A_223 = tpu.memref_slice %arg13[%dma_wait3A_221, %dma_wait3A_222] : memref<40x72xf32, #tpu.memory_space<vmem>> -> memref<40x72xf32, #tpu.memory_space<vmem>>
      tpu.wait_dma2 semaphore(%run_scoped3A : memref<!tpu.dma_semaphore, #tpu.memory_space<semaphore_mem>>) src(%dma_wait3A_223 : memref<40x72xf32, #tpu.memory_space<vmem>>) dst(%dma_wait3A_220 : memref<40x72xf32, #tpu.memory_space<vmem_shared>>)
      tpu.yield
    }) : () -> ()
    %add3A_63 = arith.constant 400 : i32
    %add3A_64 = arith.addi %mul3A_0, %add3A_63 : i32
    "tpu.region"() ({
      %run_scoped3A = tpu.sem_alloc : memref<!tpu.dma_semaphore, #tpu.memory_space<semaphore_mem>>
      %dma_start3A_204 = arith.constant 0 : i32
      %dma_start3A_205 = arith.constant 0 : i32
      %dma_start3A_206 = tpu.memref_slice %arg13[%dma_start3A_204, %dma_start3A_205] : memref<40x72xf32, #tpu.memory_space<vmem>> -> memref<40x72xf32, #tpu.memory_space<vmem>>
      %dma_start3A_207 = arith.constant 0 : i32
      %dma_start3A_208 = tpu.memref_slice %arg14[%add3A_64, %dma_start3A_207] : memref<10016x72xf32, #tpu.memory_space<vmem_shared>> -> memref<40x72xf32, #tpu.memory_space<vmem_shared>>
      %dma_start3A_209 = arith.constant 0 : i32
      %dma_start3A_210 = tpu.memref_slice %arg14[%add3A_64, %dma_start3A_209] : memref<10016x72xf32, #tpu.memory_space<vmem_shared>> -> memref<40x72xf32, #tpu.memory_space<vmem_shared>>
      %dma_start3A_211 = arith.constant 0 : i32
      %dma_start3A_212 = arith.constant 0 : i32
      %dma_start3A_213 = tpu.memref_slice %arg13[%dma_start3A_211, %dma_start3A_212] : memref<40x72xf32, #tpu.memory_space<vmem>> -> memref<40x72xf32, #tpu.memory_space<vmem>>
      tpu.enqueue_dma source(%dma_start3A_213 : memref<40x72xf32, #tpu.memory_space<vmem>>) target(%dma_start3A_210 : memref<40x72xf32, #tpu.memory_space<vmem_shared>>) target_semaphore(%run_scoped3A : memref<!tpu.dma_semaphore, #tpu.memory_space<semaphore_mem>>)
      %dma_wait3A_214 = arith.constant 0 : i32
      %dma_wait3A_215 = arith.constant 0 : i32
      %dma_wait3A_216 = tpu.memref_slice %arg13[%dma_wait3A_214, %dma_wait3A_215] : memref<40x72xf32, #tpu.memory_space<vmem>> -> memref<40x72xf32, #tpu.memory_space<vmem>>
      %dma_wait3A_217 = arith.constant 0 : i32
      %dma_wait3A_218 = tpu.memref_slice %arg14[%add3A_64, %dma_wait3A_217] : memref<10016x72xf32, #tpu.memory_space<vmem_shared>> -> memref<40x72xf32, #tpu.memory_space<vmem_shared>>
      %dma_wait3A_219 = arith.constant 0 : i32
      %dma_wait3A_220 = tpu.memref_slice %arg14[%add3A_64, %dma_wait3A_219] : memref<10016x72xf32, #tpu.memory_space<vmem_shared>> -> memref<40x72xf32, #tpu.memory_space<vmem_shared>>
      %dma_wait3A_221 = arith.constant 0 : i32
      %dma_wait3A_222 = arith.constant 0 : i32
      %dma_wait3A_223 = tpu.memref_slice %arg13[%dma_wait3A_221, %dma_wait3A_222] : memref<40x72xf32, #tpu.memory_space<vmem>> -> memref<40x72xf32, #tpu.memory_space<vmem>>
      tpu.wait_dma2 semaphore(%run_scoped3A : memref<!tpu.dma_semaphore, #tpu.memory_space<semaphore_mem>>) src(%dma_wait3A_223 : memref<40x72xf32, #tpu.memory_space<vmem>>) dst(%dma_wait3A_220 : memref<40x72xf32, #tpu.memory_space<vmem_shared>>)
      tpu.yield
    }) : () -> ()
    %add3A_65 = arith.constant 440 : i32
    %add3A_66 = arith.addi %mul3A_0, %add3A_65 : i32
    "tpu.region"() ({
      %run_scoped3A = tpu.sem_alloc : memref<!tpu.dma_semaphore, #tpu.memory_space<semaphore_mem>>
      %dma_start3A_204 = arith.constant 0 : i32
      %dma_start3A_205 = arith.constant 0 : i32
      %dma_start3A_206 = tpu.memref_slice %arg13[%dma_start3A_204, %dma_start3A_205] : memref<40x72xf32, #tpu.memory_space<vmem>> -> memref<40x72xf32, #tpu.memory_space<vmem>>
      %dma_start3A_207 = arith.constant 0 : i32
      %dma_start3A_208 = tpu.memref_slice %arg14[%add3A_66, %dma_start3A_207] : memref<10016x72xf32, #tpu.memory_space<vmem_shared>> -> memref<40x72xf32, #tpu.memory_space<vmem_shared>>
      %dma_start3A_209 = arith.constant 0 : i32
      %dma_start3A_210 = tpu.memref_slice %arg14[%add3A_66, %dma_start3A_209] : memref<10016x72xf32, #tpu.memory_space<vmem_shared>> -> memref<40x72xf32, #tpu.memory_space<vmem_shared>>
      %dma_start3A_211 = arith.constant 0 : i32
      %dma_start3A_212 = arith.constant 0 : i32
      %dma_start3A_213 = tpu.memref_slice %arg13[%dma_start3A_211, %dma_start3A_212] : memref<40x72xf32, #tpu.memory_space<vmem>> -> memref<40x72xf32, #tpu.memory_space<vmem>>
      tpu.enqueue_dma source(%dma_start3A_213 : memref<40x72xf32, #tpu.memory_space<vmem>>) target(%dma_start3A_210 : memref<40x72xf32, #tpu.memory_space<vmem_shared>>) target_semaphore(%run_scoped3A : memref<!tpu.dma_semaphore, #tpu.memory_space<semaphore_mem>>)
      %dma_wait3A_214 = arith.constant 0 : i32
      %dma_wait3A_215 = arith.constant 0 : i32
      %dma_wait3A_216 = tpu.memref_slice %arg13[%dma_wait3A_214, %dma_wait3A_215] : memref<40x72xf32, #tpu.memory_space<vmem>> -> memref<40x72xf32, #tpu.memory_space<vmem>>
      %dma_wait3A_217 = arith.constant 0 : i32
      %dma_wait3A_218 = tpu.memref_slice %arg14[%add3A_66, %dma_wait3A_217] : memref<10016x72xf32, #tpu.memory_space<vmem_shared>> -> memref<40x72xf32, #tpu.memory_space<vmem_shared>>
      %dma_wait3A_219 = arith.constant 0 : i32
      %dma_wait3A_220 = tpu.memref_slice %arg14[%add3A_66, %dma_wait3A_219] : memref<10016x72xf32, #tpu.memory_space<vmem_shared>> -> memref<40x72xf32, #tpu.memory_space<vmem_shared>>
      %dma_wait3A_221 = arith.constant 0 : i32
      %dma_wait3A_222 = arith.constant 0 : i32
      %dma_wait3A_223 = tpu.memref_slice %arg13[%dma_wait3A_221, %dma_wait3A_222] : memref<40x72xf32, #tpu.memory_space<vmem>> -> memref<40x72xf32, #tpu.memory_space<vmem>>
      tpu.wait_dma2 semaphore(%run_scoped3A : memref<!tpu.dma_semaphore, #tpu.memory_space<semaphore_mem>>) src(%dma_wait3A_223 : memref<40x72xf32, #tpu.memory_space<vmem>>) dst(%dma_wait3A_220 : memref<40x72xf32, #tpu.memory_space<vmem_shared>>)
      tpu.yield
    }) : () -> ()
    %add3A_67 = arith.constant 480 : i32
    %add3A_68 = arith.addi %mul3A_0, %add3A_67 : i32
    "tpu.region"() ({
      %run_scoped3A = tpu.sem_alloc : memref<!tpu.dma_semaphore, #tpu.memory_space<semaphore_mem>>
      %dma_start3A_204 = arith.constant 0 : i32
      %dma_start3A_205 = arith.constant 0 : i32
      %dma_start3A_206 = tpu.memref_slice %arg13[%dma_start3A_204, %dma_start3A_205] : memref<40x72xf32, #tpu.memory_space<vmem>> -> memref<40x72xf32, #tpu.memory_space<vmem>>
      %dma_start3A_207 = arith.constant 0 : i32
      %dma_start3A_208 = tpu.memref_slice %arg14[%add3A_68, %dma_start3A_207] : memref<10016x72xf32, #tpu.memory_space<vmem_shared>> -> memref<40x72xf32, #tpu.memory_space<vmem_shared>>
      %dma_start3A_209 = arith.constant 0 : i32
      %dma_start3A_210 = tpu.memref_slice %arg14[%add3A_68, %dma_start3A_209] : memref<10016x72xf32, #tpu.memory_space<vmem_shared>> -> memref<40x72xf32, #tpu.memory_space<vmem_shared>>
      %dma_start3A_211 = arith.constant 0 : i32
      %dma_start3A_212 = arith.constant 0 : i32
      %dma_start3A_213 = tpu.memref_slice %arg13[%dma_start3A_211, %dma_start3A_212] : memref<40x72xf32, #tpu.memory_space<vmem>> -> memref<40x72xf32, #tpu.memory_space<vmem>>
      tpu.enqueue_dma source(%dma_start3A_213 : memref<40x72xf32, #tpu.memory_space<vmem>>) target(%dma_start3A_210 : memref<40x72xf32, #tpu.memory_space<vmem_shared>>) target_semaphore(%run_scoped3A : memref<!tpu.dma_semaphore, #tpu.memory_space<semaphore_mem>>)
      %dma_wait3A_214 = arith.constant 0 : i32
      %dma_wait3A_215 = arith.constant 0 : i32
      %dma_wait3A_216 = tpu.memref_slice %arg13[%dma_wait3A_214, %dma_wait3A_215] : memref<40x72xf32, #tpu.memory_space<vmem>> -> memref<40x72xf32, #tpu.memory_space<vmem>>
      %dma_wait3A_217 = arith.constant 0 : i32
      %dma_wait3A_218 = tpu.memref_slice %arg14[%add3A_68, %dma_wait3A_217] : memref<10016x72xf32, #tpu.memory_space<vmem_shared>> -> memref<40x72xf32, #tpu.memory_space<vmem_shared>>
      %dma_wait3A_219 = arith.constant 0 : i32
      %dma_wait3A_220 = tpu.memref_slice %arg14[%add3A_68, %dma_wait3A_219] : memref<10016x72xf32, #tpu.memory_space<vmem_shared>> -> memref<40x72xf32, #tpu.memory_space<vmem_shared>>
      %dma_wait3A_221 = arith.constant 0 : i32
      %dma_wait3A_222 = arith.constant 0 : i32
      %dma_wait3A_223 = tpu.memref_slice %arg13[%dma_wait3A_221, %dma_wait3A_222] : memref<40x72xf32, #tpu.memory_space<vmem>> -> memref<40x72xf32, #tpu.memory_space<vmem>>
      tpu.wait_dma2 semaphore(%run_scoped3A : memref<!tpu.dma_semaphore, #tpu.memory_space<semaphore_mem>>) src(%dma_wait3A_223 : memref<40x72xf32, #tpu.memory_space<vmem>>) dst(%dma_wait3A_220 : memref<40x72xf32, #tpu.memory_space<vmem_shared>>)
      tpu.yield
    }) : () -> ()
    %add3A_69 = arith.constant 520 : i32
    %add3A_70 = arith.addi %mul3A_0, %add3A_69 : i32
    "tpu.region"() ({
      %run_scoped3A = tpu.sem_alloc : memref<!tpu.dma_semaphore, #tpu.memory_space<semaphore_mem>>
      %dma_start3A_204 = arith.constant 0 : i32
      %dma_start3A_205 = arith.constant 0 : i32
      %dma_start3A_206 = tpu.memref_slice %arg13[%dma_start3A_204, %dma_start3A_205] : memref<40x72xf32, #tpu.memory_space<vmem>> -> memref<40x72xf32, #tpu.memory_space<vmem>>
      %dma_start3A_207 = arith.constant 0 : i32
      %dma_start3A_208 = tpu.memref_slice %arg14[%add3A_70, %dma_start3A_207] : memref<10016x72xf32, #tpu.memory_space<vmem_shared>> -> memref<40x72xf32, #tpu.memory_space<vmem_shared>>
      %dma_start3A_209 = arith.constant 0 : i32
      %dma_start3A_210 = tpu.memref_slice %arg14[%add3A_70, %dma_start3A_209] : memref<10016x72xf32, #tpu.memory_space<vmem_shared>> -> memref<40x72xf32, #tpu.memory_space<vmem_shared>>
      %dma_start3A_211 = arith.constant 0 : i32
      %dma_start3A_212 = arith.constant 0 : i32
      %dma_start3A_213 = tpu.memref_slice %arg13[%dma_start3A_211, %dma_start3A_212] : memref<40x72xf32, #tpu.memory_space<vmem>> -> memref<40x72xf32, #tpu.memory_space<vmem>>
      tpu.enqueue_dma source(%dma_start3A_213 : memref<40x72xf32, #tpu.memory_space<vmem>>) target(%dma_start3A_210 : memref<40x72xf32, #tpu.memory_space<vmem_shared>>) target_semaphore(%run_scoped3A : memref<!tpu.dma_semaphore, #tpu.memory_space<semaphore_mem>>)
      %dma_wait3A_214 = arith.constant 0 : i32
      %dma_wait3A_215 = arith.constant 0 : i32
      %dma_wait3A_216 = tpu.memref_slice %arg13[%dma_wait3A_214, %dma_wait3A_215] : memref<40x72xf32, #tpu.memory_space<vmem>> -> memref<40x72xf32, #tpu.memory_space<vmem>>
      %dma_wait3A_217 = arith.constant 0 : i32
      %dma_wait3A_218 = tpu.memref_slice %arg14[%add3A_70, %dma_wait3A_217] : memref<10016x72xf32, #tpu.memory_space<vmem_shared>> -> memref<40x72xf32, #tpu.memory_space<vmem_shared>>
      %dma_wait3A_219 = arith.constant 0 : i32
      %dma_wait3A_220 = tpu.memref_slice %arg14[%add3A_70, %dma_wait3A_219] : memref<10016x72xf32, #tpu.memory_space<vmem_shared>> -> memref<40x72xf32, #tpu.memory_space<vmem_shared>>
      %dma_wait3A_221 = arith.constant 0 : i32
      %dma_wait3A_222 = arith.constant 0 : i32
      %dma_wait3A_223 = tpu.memref_slice %arg13[%dma_wait3A_221, %dma_wait3A_222] : memref<40x72xf32, #tpu.memory_space<vmem>> -> memref<40x72xf32, #tpu.memory_space<vmem>>
      tpu.wait_dma2 semaphore(%run_scoped3A : memref<!tpu.dma_semaphore, #tpu.memory_space<semaphore_mem>>) src(%dma_wait3A_223 : memref<40x72xf32, #tpu.memory_space<vmem>>) dst(%dma_wait3A_220 : memref<40x72xf32, #tpu.memory_space<vmem_shared>>)
      tpu.yield
    }) : () -> ()
    %add3A_71 = arith.constant 560 : i32
    %add3A_72 = arith.addi %mul3A_0, %add3A_71 : i32
    "tpu.region"() ({
      %run_scoped3A = tpu.sem_alloc : memref<!tpu.dma_semaphore, #tpu.memory_space<semaphore_mem>>
      %dma_start3A_204 = arith.constant 0 : i32
      %dma_start3A_205 = arith.constant 0 : i32
      %dma_start3A_206 = tpu.memref_slice %arg13[%dma_start3A_204, %dma_start3A_205] : memref<40x72xf32, #tpu.memory_space<vmem>> -> memref<40x72xf32, #tpu.memory_space<vmem>>
      %dma_start3A_207 = arith.constant 0 : i32
      %dma_start3A_208 = tpu.memref_slice %arg14[%add3A_72, %dma_start3A_207] : memref<10016x72xf32, #tpu.memory_space<vmem_shared>> -> memref<40x72xf32, #tpu.memory_space<vmem_shared>>
      %dma_start3A_209 = arith.constant 0 : i32
      %dma_start3A_210 = tpu.memref_slice %arg14[%add3A_72, %dma_start3A_209] : memref<10016x72xf32, #tpu.memory_space<vmem_shared>> -> memref<40x72xf32, #tpu.memory_space<vmem_shared>>
      %dma_start3A_211 = arith.constant 0 : i32
      %dma_start3A_212 = arith.constant 0 : i32
      %dma_start3A_213 = tpu.memref_slice %arg13[%dma_start3A_211, %dma_start3A_212] : memref<40x72xf32, #tpu.memory_space<vmem>> -> memref<40x72xf32, #tpu.memory_space<vmem>>
      tpu.enqueue_dma source(%dma_start3A_213 : memref<40x72xf32, #tpu.memory_space<vmem>>) target(%dma_start3A_210 : memref<40x72xf32, #tpu.memory_space<vmem_shared>>) target_semaphore(%run_scoped3A : memref<!tpu.dma_semaphore, #tpu.memory_space<semaphore_mem>>)
      %dma_wait3A_214 = arith.constant 0 : i32
      %dma_wait3A_215 = arith.constant 0 : i32
      %dma_wait3A_216 = tpu.memref_slice %arg13[%dma_wait3A_214, %dma_wait3A_215] : memref<40x72xf32, #tpu.memory_space<vmem>> -> memref<40x72xf32, #tpu.memory_space<vmem>>
      %dma_wait3A_217 = arith.constant 0 : i32
      %dma_wait3A_218 = tpu.memref_slice %arg14[%add3A_72, %dma_wait3A_217] : memref<10016x72xf32, #tpu.memory_space<vmem_shared>> -> memref<40x72xf32, #tpu.memory_space<vmem_shared>>
      %dma_wait3A_219 = arith.constant 0 : i32
      %dma_wait3A_220 = tpu.memref_slice %arg14[%add3A_72, %dma_wait3A_219] : memref<10016x72xf32, #tpu.memory_space<vmem_shared>> -> memref<40x72xf32, #tpu.memory_space<vmem_shared>>
      %dma_wait3A_221 = arith.constant 0 : i32
      %dma_wait3A_222 = arith.constant 0 : i32
      %dma_wait3A_223 = tpu.memref_slice %arg13[%dma_wait3A_221, %dma_wait3A_222] : memref<40x72xf32, #tpu.memory_space<vmem>> -> memref<40x72xf32, #tpu.memory_space<vmem>>
      tpu.wait_dma2 semaphore(%run_scoped3A : memref<!tpu.dma_semaphore, #tpu.memory_space<semaphore_mem>>) src(%dma_wait3A_223 : memref<40x72xf32, #tpu.memory_space<vmem>>) dst(%dma_wait3A_220 : memref<40x72xf32, #tpu.memory_space<vmem_shared>>)
      tpu.yield
    }) : () -> ()
    %add3A_73 = arith.constant 600 : i32
    %add3A_74 = arith.addi %mul3A_0, %add3A_73 : i32
    "tpu.region"() ({
      %run_scoped3A = tpu.sem_alloc : memref<!tpu.dma_semaphore, #tpu.memory_space<semaphore_mem>>
      %dma_start3A_204 = arith.constant 0 : i32
      %dma_start3A_205 = arith.constant 0 : i32
      %dma_start3A_206 = tpu.memref_slice %arg13[%dma_start3A_204, %dma_start3A_205] : memref<40x72xf32, #tpu.memory_space<vmem>> -> memref<25x72xf32, #tpu.memory_space<vmem>>
      %dma_start3A_207 = arith.constant 0 : i32
      %dma_start3A_208 = tpu.memref_slice %arg14[%add3A_74, %dma_start3A_207] : memref<10016x72xf32, #tpu.memory_space<vmem_shared>> -> memref<25x72xf32, #tpu.memory_space<vmem_shared>>
      %dma_start3A_209 = arith.constant 0 : i32
      %dma_start3A_210 = tpu.memref_slice %arg14[%add3A_74, %dma_start3A_209] : memref<10016x72xf32, #tpu.memory_space<vmem_shared>> -> memref<25x72xf32, #tpu.memory_space<vmem_shared>>
      %dma_start3A_211 = arith.constant 0 : i32
      %dma_start3A_212 = arith.constant 0 : i32
      %dma_start3A_213 = tpu.memref_slice %arg13[%dma_start3A_211, %dma_start3A_212] : memref<40x72xf32, #tpu.memory_space<vmem>> -> memref<25x72xf32, #tpu.memory_space<vmem>>
      tpu.enqueue_dma source(%dma_start3A_213 : memref<25x72xf32, #tpu.memory_space<vmem>>) target(%dma_start3A_210 : memref<25x72xf32, #tpu.memory_space<vmem_shared>>) target_semaphore(%run_scoped3A : memref<!tpu.dma_semaphore, #tpu.memory_space<semaphore_mem>>)
      %dma_wait3A_214 = arith.constant 0 : i32
      %dma_wait3A_215 = arith.constant 0 : i32
      %dma_wait3A_216 = tpu.memref_slice %arg13[%dma_wait3A_214, %dma_wait3A_215] : memref<40x72xf32, #tpu.memory_space<vmem>> -> memref<25x72xf32, #tpu.memory_space<vmem>>
      %dma_wait3A_217 = arith.constant 0 : i32
      %dma_wait3A_218 = tpu.memref_slice %arg14[%add3A_74, %dma_wait3A_217] : memref<10016x72xf32, #tpu.memory_space<vmem_shared>> -> memref<25x72xf32, #tpu.memory_space<vmem_shared>>
      %dma_wait3A_219 = arith.constant 0 : i32
      %dma_wait3A_220 = tpu.memref_slice %arg14[%add3A_74, %dma_wait3A_219] : memref<10016x72xf32, #tpu.memory_space<vmem_shared>> -> memref<25x72xf32, #tpu.memory_space<vmem_shared>>
      %dma_wait3A_221 = arith.constant 0 : i32
      %dma_wait3A_222 = arith.constant 0 : i32
      %dma_wait3A_223 = tpu.memref_slice %arg13[%dma_wait3A_221, %dma_wait3A_222] : memref<40x72xf32, #tpu.memory_space<vmem>> -> memref<25x72xf32, #tpu.memory_space<vmem>>
      tpu.wait_dma2 semaphore(%run_scoped3A : memref<!tpu.dma_semaphore, #tpu.memory_space<semaphore_mem>>) src(%dma_wait3A_223 : memref<25x72xf32, #tpu.memory_space<vmem>>) dst(%dma_wait3A_220 : memref<25x72xf32, #tpu.memory_space<vmem_shared>>)
      tpu.yield
    }) : () -> ()
    %barrier3A = arith.constant 0 : index
    tpu.barrier barrier_id(%barrier3A)
    %dma_wait3A = arith.constant 0 : i32
    %dma_wait3A_75 = arith.constant 0 : i32
    %dma_wait3A_76 = tpu.memref_slice %arg7[%dma_wait3A, %dma_wait3A_75] : memref<168x120xi32, #tpu.memory_space<vmem>> -> memref<1x120xi32, #tpu.memory_space<vmem>>
    %dma_wait3A_77 = tpu.memref_squeeze %dma_wait3A_76 : memref<1x120xi32, #tpu.memory_space<vmem>> -> memref<120xi32, #tpu.memory_space<vmem>>
    %dma_wait3A_78 = arith.constant 0 : i32
    %dma_wait3A_79 = arith.constant 0 : i32
    %dma_wait3A_80 = tpu.memref_slice %arg2[%arg0, %dma_wait3A_78, %dma_wait3A_79] : memref<2x10000x72xf32, #tpu.memory_space<hbm>> -> memref<1x10000x72xf32, #tpu.memory_space<hbm>>
    %dma_wait3A_81 = tpu.memref_squeeze %dma_wait3A_80 : memref<1x10000x72xf32, #tpu.memory_space<hbm>> -> memref<10000x72xf32, #tpu.memory_space<hbm>>
    %dma_wait3A_82 = arith.constant 0 : i32
    %dma_wait3A_83 = arith.constant 0 : i32
    %dma_wait3A_84 = tpu.memref_slice %dma_wait3A_81[%dma_wait3A_82, %dma_wait3A_83] : memref<10000x72xf32, #tpu.memory_space<hbm>> -> memref<10000x72xf32, #tpu.memory_space<hbm>>
    tpu.wait_indirect_dma semaphore(%arg15 : memref<!tpu.dma_semaphore, #tpu.memory_space<semaphore_mem>>) src(%dma_wait3A_84 : memref<10000x72xf32, #tpu.memory_space<hbm>>) dst(%arg9 : memref<120x72xf32, #tpu.memory_space<vmem>>)
    %dma_start3A_85 = arith.constant 0 : i32
    %dma_start3A_86 = arith.constant 0 : i32
    %dma_start3A_87 = tpu.memref_slice %arg8[%dma_start3A_85, %dma_start3A_86] : memref<168x120xi32, #tpu.memory_space<vmem>> -> memref<1x120xi32, #tpu.memory_space<vmem>>
    %dma_start3A_88 = tpu.memref_squeeze %dma_start3A_87 : memref<1x120xi32, #tpu.memory_space<vmem>> -> memref<120xi32, #tpu.memory_space<vmem>>
    %dma_start3A_89 = arith.constant 0 : i32
    %dma_start3A_90 = arith.constant 0 : i32
    %dma_start3A_91 = tpu.memref_slice %arg14[%dma_start3A_89, %dma_start3A_90] : memref<10016x72xf32, #tpu.memory_space<vmem_shared>> -> memref<10016x72xf32, #tpu.memory_space<vmem_shared>>
    tpu.enqueue_indirect_dma source(%arg9 : memref<120x72xf32, #tpu.memory_space<vmem>>) target(%dma_start3A_91 : memref<10016x72xf32, #tpu.memory_space<vmem_shared>>) offsets(%dma_start3A_88 : memref<120xi32, #tpu.memory_space<vmem>>) semaphore(%arg19 : memref<!tpu.dma_semaphore, #tpu.memory_space<semaphore_mem>>) {add = true}
    %dma_wait3A_92 = arith.constant 0 : i32
    %dma_wait3A_93 = arith.constant 0 : i32
    %dma_wait3A_94 = tpu.memref_slice %arg7[%dma_wait3A_92, %dma_wait3A_93] : memref<168x120xi32, #tpu.memory_space<vmem>> -> memref<1x120xi32, #tpu.memory_space<vmem>>
    %dma_wait3A_95 = tpu.memref_squeeze %dma_wait3A_94 : memref<1x120xi32, #tpu.memory_space<vmem>> -> memref<120xi32, #tpu.memory_space<vmem>>
    %dma_wait3A_96 = arith.constant 0 : i32
    %dma_wait3A_97 = arith.constant 0 : i32
    %dma_wait3A_98 = tpu.memref_slice %arg2[%arg0, %dma_wait3A_96, %dma_wait3A_97] : memref<2x10000x72xf32, #tpu.memory_space<hbm>> -> memref<1x10000x72xf32, #tpu.memory_space<hbm>>
    %dma_wait3A_99 = tpu.memref_squeeze %dma_wait3A_98 : memref<1x10000x72xf32, #tpu.memory_space<hbm>> -> memref<10000x72xf32, #tpu.memory_space<hbm>>
    %dma_wait3A_100 = arith.constant 0 : i32
    %dma_wait3A_101 = arith.constant 0 : i32
    %dma_wait3A_102 = tpu.memref_slice %dma_wait3A_99[%dma_wait3A_100, %dma_wait3A_101] : memref<10000x72xf32, #tpu.memory_space<hbm>> -> memref<10000x72xf32, #tpu.memory_space<hbm>>
    tpu.wait_indirect_dma semaphore(%arg16 : memref<!tpu.dma_semaphore, #tpu.memory_space<semaphore_mem>>) src(%dma_wait3A_102 : memref<10000x72xf32, #tpu.memory_space<hbm>>) dst(%arg10 : memref<120x72xf32, #tpu.memory_space<vmem>>)
    %dma_start3A_103 = arith.constant 1 : i32
    %dma_start3A_104 = arith.constant 0 : i32
    %dma_start3A_105 = tpu.memref_slice %arg8[%dma_start3A_103, %dma_start3A_104] : memref<168x120xi32, #tpu.memory_space<vmem>> -> memref<1x120xi32, #tpu.memory_space<vmem>>
    %dma_start3A_106 = tpu.memref_squeeze %dma_start3A_105 : memref<1x120xi32, #tpu.memory_space<vmem>> -> memref<120xi32, #tpu.memory_space<vmem>>
    %dma_start3A_107 = arith.constant 0 : i32
    %dma_start3A_108 = arith.constant 0 : i32
    %dma_start3A_109 = tpu.memref_slice %arg14[%dma_start3A_107, %dma_start3A_108] : memref<10016x72xf32, #tpu.memory_space<vmem_shared>> -> memref<10016x72xf32, #tpu.memory_space<vmem_shared>>
    tpu.enqueue_indirect_dma source(%arg10 : memref<120x72xf32, #tpu.memory_space<vmem>>) target(%dma_start3A_109 : memref<10016x72xf32, #tpu.memory_space<vmem_shared>>) offsets(%dma_start3A_106 : memref<120xi32, #tpu.memory_space<vmem>>) semaphore(%arg20 : memref<!tpu.dma_semaphore, #tpu.memory_space<semaphore_mem>>) {add = true}
    %dma_wait3A_110 = arith.constant 0 : i32
    %dma_wait3A_111 = arith.constant 0 : i32
    %dma_wait3A_112 = tpu.memref_slice %arg7[%dma_wait3A_110, %dma_wait3A_111] : memref<168x120xi32, #tpu.memory_space<vmem>> -> memref<1x120xi32, #tpu.memory_space<vmem>>
    %dma_wait3A_113 = tpu.memref_squeeze %dma_wait3A_112 : memref<1x120xi32, #tpu.memory_space<vmem>> -> memref<120xi32, #tpu.memory_space<vmem>>
    %dma_wait3A_114 = arith.constant 0 : i32
    %dma_wait3A_115 = arith.constant 0 : i32
    %dma_wait3A_116 = tpu.memref_slice %arg2[%arg0, %dma_wait3A_114, %dma_wait3A_115] : memref<2x10000x72xf32, #tpu.memory_space<hbm>> -> memref<1x10000x72xf32, #tpu.memory_space<hbm>>
    %dma_wait3A_117 = tpu.memref_squeeze %dma_wait3A_116 : memref<1x10000x72xf32, #tpu.memory_space<hbm>> -> memref<10000x72xf32, #tpu.memory_space<hbm>>
    %dma_wait3A_118 = arith.constant 0 : i32
    %dma_wait3A_119 = arith.constant 0 : i32
    %dma_wait3A_120 = tpu.memref_slice %dma_wait3A_117[%dma_wait3A_118, %dma_wait3A_119] : memref<10000x72xf32, #tpu.memory_space<hbm>> -> memref<10000x72xf32, #tpu.memory_space<hbm>>
    tpu.wait_indirect_dma semaphore(%arg17 : memref<!tpu.dma_semaphore, #tpu.memory_space<semaphore_mem>>) src(%dma_wait3A_120 : memref<10000x72xf32, #tpu.memory_space<hbm>>) dst(%arg11 : memref<120x72xf32, #tpu.memory_space<vmem>>)
    %dma_start3A_121 = arith.constant 2 : i32
    %dma_start3A_122 = arith.constant 0 : i32
    %dma_start3A_123 = tpu.memref_slice %arg8[%dma_start3A_121, %dma_start3A_122] : memref<168x120xi32, #tpu.memory_space<vmem>> -> memref<1x120xi32, #tpu.memory_space<vmem>>
    %dma_start3A_124 = tpu.memref_squeeze %dma_start3A_123 : memref<1x120xi32, #tpu.memory_space<vmem>> -> memref<120xi32, #tpu.memory_space<vmem>>
    %dma_start3A_125 = arith.constant 0 : i32
    %dma_start3A_126 = arith.constant 0 : i32
    %dma_start3A_127 = tpu.memref_slice %arg14[%dma_start3A_125, %dma_start3A_126] : memref<10016x72xf32, #tpu.memory_space<vmem_shared>> -> memref<10016x72xf32, #tpu.memory_space<vmem_shared>>
    tpu.enqueue_indirect_dma source(%arg11 : memref<120x72xf32, #tpu.memory_space<vmem>>) target(%dma_start3A_127 : memref<10016x72xf32, #tpu.memory_space<vmem_shared>>) offsets(%dma_start3A_124 : memref<120xi32, #tpu.memory_space<vmem>>) semaphore(%arg21 : memref<!tpu.dma_semaphore, #tpu.memory_space<semaphore_mem>>) {add = true}
    %dma_wait3A_128 = arith.constant 0 : i32
    %dma_wait3A_129 = arith.constant 0 : i32
    %dma_wait3A_130 = tpu.memref_slice %arg7[%dma_wait3A_128, %dma_wait3A_129] : memref<168x120xi32, #tpu.memory_space<vmem>> -> memref<1x120xi32, #tpu.memory_space<vmem>>
    %dma_wait3A_131 = tpu.memref_squeeze %dma_wait3A_130 : memref<1x120xi32, #tpu.memory_space<vmem>> -> memref<120xi32, #tpu.memory_space<vmem>>
    %dma_wait3A_132 = arith.constant 0 : i32
    %dma_wait3A_133 = arith.constant 0 : i32
    %dma_wait3A_134 = tpu.memref_slice %arg2[%arg0, %dma_wait3A_132, %dma_wait3A_133] : memref<2x10000x72xf32, #tpu.memory_space<hbm>> -> memref<1x10000x72xf32, #tpu.memory_space<hbm>>
    %dma_wait3A_135 = tpu.memref_squeeze %dma_wait3A_134 : memref<1x10000x72xf32, #tpu.memory_space<hbm>> -> memref<10000x72xf32, #tpu.memory_space<hbm>>
    %dma_wait3A_136 = arith.constant 0 : i32
    %dma_wait3A_137 = arith.constant 0 : i32
    %dma_wait3A_138 = tpu.memref_slice %dma_wait3A_135[%dma_wait3A_136, %dma_wait3A_137] : memref<10000x72xf32, #tpu.memory_space<hbm>> -> memref<10000x72xf32, #tpu.memory_space<hbm>>
    tpu.wait_indirect_dma semaphore(%arg18 : memref<!tpu.dma_semaphore, #tpu.memory_space<semaphore_mem>>) src(%dma_wait3A_138 : memref<10000x72xf32, #tpu.memory_space<hbm>>) dst(%arg12 : memref<120x72xf32, #tpu.memory_space<vmem>>)
    %dma_start3A_139 = arith.constant 3 : i32
    %dma_start3A_140 = arith.constant 0 : i32
    %dma_start3A_141 = tpu.memref_slice %arg8[%dma_start3A_139, %dma_start3A_140] : memref<168x120xi32, #tpu.memory_space<vmem>> -> memref<1x120xi32, #tpu.memory_space<vmem>>
    %dma_start3A_142 = tpu.memref_squeeze %dma_start3A_141 : memref<1x120xi32, #tpu.memory_space<vmem>> -> memref<120xi32, #tpu.memory_space<vmem>>
    %dma_start3A_143 = arith.constant 0 : i32
    %dma_start3A_144 = arith.constant 0 : i32
    %dma_start3A_145 = tpu.memref_slice %arg14[%dma_start3A_143, %dma_start3A_144] : memref<10016x72xf32, #tpu.memory_space<vmem_shared>> -> memref<10016x72xf32, #tpu.memory_space<vmem_shared>>
    tpu.enqueue_indirect_dma source(%arg12 : memref<120x72xf32, #tpu.memory_space<vmem>>) target(%dma_start3A_145 : memref<10016x72xf32, #tpu.memory_space<vmem_shared>>) offsets(%dma_start3A_142 : memref<120xi32, #tpu.memory_space<vmem>>) semaphore(%arg22 : memref<!tpu.dma_semaphore, #tpu.memory_space<semaphore_mem>>) {add = true}
    %scan3A = arith.constant 0 : i32
    %scan3A_146 = arith.constant 1 : i32
    %scan3A_147 = arith.constant 41 : i32
    %scan3A_148 = arith.addi %scan3A_146, %scan3A_147 : i32
    %scan3A_149 = arith.constant 1 : i32
    scf.for %scan3A_204 = %scan3A_146 to %scan3A_148 step %scan3A_149  : i32 {
      %mul3A_205 = arith.constant 4 : i32
      %mul3A_206 = arith.muli %mul3A_205, %scan3A_204 : i32
      %dma_wait3A_207 = arith.constant 0 : i32
      %dma_wait3A_208 = arith.constant 0 : i32
      %dma_wait3A_209 = tpu.memref_slice %arg8[%dma_wait3A_207, %dma_wait3A_208] : memref<168x120xi32, #tpu.memory_space<vmem>> -> memref<1x120xi32, #tpu.memory_space<vmem>>
      %dma_wait3A_210 = tpu.memref_squeeze %dma_wait3A_209 : memref<1x120xi32, #tpu.memory_space<vmem>> -> memref<120xi32, #tpu.memory_space<vmem>>
      %dma_wait3A_211 = arith.constant 0 : i32
      %dma_wait3A_212 = arith.constant 0 : i32
      %dma_wait3A_213 = tpu.memref_slice %arg14[%dma_wait3A_211, %dma_wait3A_212] : memref<10016x72xf32, #tpu.memory_space<vmem_shared>> -> memref<10016x72xf32, #tpu.memory_space<vmem_shared>>
      tpu.wait_indirect_dma semaphore(%arg19 : memref<!tpu.dma_semaphore, #tpu.memory_space<semaphore_mem>>) src(%arg9 : memref<120x72xf32, #tpu.memory_space<vmem>>) dst(%dma_wait3A_213 : memref<10016x72xf32, #tpu.memory_space<vmem_shared>>)
      %add3A_214 = arith.constant 0 : i32
      %add3A_215 = arith.addi %mul3A_206, %add3A_214 : i32
      %dma_start3A_216 = arith.constant 0 : i32
      %dma_start3A_217 = tpu.memref_slice %arg7[%add3A_215, %dma_start3A_216] : memref<168x120xi32, #tpu.memory_space<vmem>> -> memref<1x120xi32, #tpu.memory_space<vmem>>
      %dma_start3A_218 = tpu.memref_squeeze %dma_start3A_217 : memref<1x120xi32, #tpu.memory_space<vmem>> -> memref<120xi32, #tpu.memory_space<vmem>>
      %dma_start3A_219 = arith.constant 0 : i32
      %dma_start3A_220 = arith.constant 0 : i32
      %dma_start3A_221 = tpu.memref_slice %arg2[%arg0, %dma_start3A_219, %dma_start3A_220] : memref<2x10000x72xf32, #tpu.memory_space<hbm>> -> memref<1x10000x72xf32, #tpu.memory_space<hbm>>
      %dma_start3A_222 = tpu.memref_squeeze %dma_start3A_221 : memref<1x10000x72xf32, #tpu.memory_space<hbm>> -> memref<10000x72xf32, #tpu.memory_space<hbm>>
      %dma_start3A_223 = arith.constant 0 : i32
      %dma_start3A_224 = arith.constant 0 : i32
      %dma_start3A_225 = tpu.memref_slice %dma_start3A_222[%dma_start3A_223, %dma_start3A_224] : memref<10000x72xf32, #tpu.memory_space<hbm>> -> memref<10000x72xf32, #tpu.memory_space<hbm>>
      tpu.enqueue_indirect_dma source(%dma_start3A_225 : memref<10000x72xf32, #tpu.memory_space<hbm>>) target(%arg9 : memref<120x72xf32, #tpu.memory_space<vmem>>) offsets(%dma_start3A_218 : memref<120xi32, #tpu.memory_space<vmem>>) semaphore(%arg15 : memref<!tpu.dma_semaphore, #tpu.memory_space<semaphore_mem>>)
      %dma_wait3A_226 = arith.constant 0 : i32
      %dma_wait3A_227 = arith.constant 0 : i32
      %dma_wait3A_228 = tpu.memref_slice %arg8[%dma_wait3A_226, %dma_wait3A_227] : memref<168x120xi32, #tpu.memory_space<vmem>> -> memref<1x120xi32, #tpu.memory_space<vmem>>
      %dma_wait3A_229 = tpu.memref_squeeze %dma_wait3A_228 : memref<1x120xi32, #tpu.memory_space<vmem>> -> memref<120xi32, #tpu.memory_space<vmem>>
      %dma_wait3A_230 = arith.constant 0 : i32
      %dma_wait3A_231 = arith.constant 0 : i32
      %dma_wait3A_232 = tpu.memref_slice %arg14[%dma_wait3A_230, %dma_wait3A_231] : memref<10016x72xf32, #tpu.memory_space<vmem_shared>> -> memref<10016x72xf32, #tpu.memory_space<vmem_shared>>
      tpu.wait_indirect_dma semaphore(%arg20 : memref<!tpu.dma_semaphore, #tpu.memory_space<semaphore_mem>>) src(%arg10 : memref<120x72xf32, #tpu.memory_space<vmem>>) dst(%dma_wait3A_232 : memref<10016x72xf32, #tpu.memory_space<vmem_shared>>)
      %add3A_233 = arith.constant 1 : i32
      %add3A_234 = arith.addi %mul3A_206, %add3A_233 : i32
      %dma_start3A_235 = arith.constant 0 : i32
      %dma_start3A_236 = tpu.memref_slice %arg7[%add3A_234, %dma_start3A_235] : memref<168x120xi32, #tpu.memory_space<vmem>> -> memref<1x120xi32, #tpu.memory_space<vmem>>
      %dma_start3A_237 = tpu.memref_squeeze %dma_start3A_236 : memref<1x120xi32, #tpu.memory_space<vmem>> -> memref<120xi32, #tpu.memory_space<vmem>>
      %dma_start3A_238 = arith.constant 0 : i32
      %dma_start3A_239 = arith.constant 0 : i32
      %dma_start3A_240 = tpu.memref_slice %arg2[%arg0, %dma_start3A_238, %dma_start3A_239] : memref<2x10000x72xf32, #tpu.memory_space<hbm>> -> memref<1x10000x72xf32, #tpu.memory_space<hbm>>
      %dma_start3A_241 = tpu.memref_squeeze %dma_start3A_240 : memref<1x10000x72xf32, #tpu.memory_space<hbm>> -> memref<10000x72xf32, #tpu.memory_space<hbm>>
      %dma_start3A_242 = arith.constant 0 : i32
      %dma_start3A_243 = arith.constant 0 : i32
      %dma_start3A_244 = tpu.memref_slice %dma_start3A_241[%dma_start3A_242, %dma_start3A_243] : memref<10000x72xf32, #tpu.memory_space<hbm>> -> memref<10000x72xf32, #tpu.memory_space<hbm>>
      tpu.enqueue_indirect_dma source(%dma_start3A_244 : memref<10000x72xf32, #tpu.memory_space<hbm>>) target(%arg10 : memref<120x72xf32, #tpu.memory_space<vmem>>) offsets(%dma_start3A_237 : memref<120xi32, #tpu.memory_space<vmem>>) semaphore(%arg16 : memref<!tpu.dma_semaphore, #tpu.memory_space<semaphore_mem>>)
      %dma_wait3A_245 = arith.constant 0 : i32
      %dma_wait3A_246 = arith.constant 0 : i32
      %dma_wait3A_247 = tpu.memref_slice %arg8[%dma_wait3A_245, %dma_wait3A_246] : memref<168x120xi32, #tpu.memory_space<vmem>> -> memref<1x120xi32, #tpu.memory_space<vmem>>
      %dma_wait3A_248 = tpu.memref_squeeze %dma_wait3A_247 : memref<1x120xi32, #tpu.memory_space<vmem>> -> memref<120xi32, #tpu.memory_space<vmem>>
      %dma_wait3A_249 = arith.constant 0 : i32
      %dma_wait3A_250 = arith.constant 0 : i32
      %dma_wait3A_251 = tpu.memref_slice %arg14[%dma_wait3A_249, %dma_wait3A_250] : memref<10016x72xf32, #tpu.memory_space<vmem_shared>> -> memref<10016x72xf32, #tpu.memory_space<vmem_shared>>
      tpu.wait_indirect_dma semaphore(%arg21 : memref<!tpu.dma_semaphore, #tpu.memory_space<semaphore_mem>>) src(%arg11 : memref<120x72xf32, #tpu.memory_space<vmem>>) dst(%dma_wait3A_251 : memref<10016x72xf32, #tpu.memory_space<vmem_shared>>)
      %add3A_252 = arith.constant 2 : i32
      %add3A_253 = arith.addi %mul3A_206, %add3A_252 : i32
      %dma_start3A_254 = arith.constant 0 : i32
      %dma_start3A_255 = tpu.memref_slice %arg7[%add3A_253, %dma_start3A_254] : memref<168x120xi32, #tpu.memory_space<vmem>> -> memref<1x120xi32, #tpu.memory_space<vmem>>
      %dma_start3A_256 = tpu.memref_squeeze %dma_start3A_255 : memref<1x120xi32, #tpu.memory_space<vmem>> -> memref<120xi32, #tpu.memory_space<vmem>>
      %dma_start3A_257 = arith.constant 0 : i32
      %dma_start3A_258 = arith.constant 0 : i32
      %dma_start3A_259 = tpu.memref_slice %arg2[%arg0, %dma_start3A_257, %dma_start3A_258] : memref<2x10000x72xf32, #tpu.memory_space<hbm>> -> memref<1x10000x72xf32, #tpu.memory_space<hbm>>
      %dma_start3A_260 = tpu.memref_squeeze %dma_start3A_259 : memref<1x10000x72xf32, #tpu.memory_space<hbm>> -> memref<10000x72xf32, #tpu.memory_space<hbm>>
      %dma_start3A_261 = arith.constant 0 : i32
      %dma_start3A_262 = arith.constant 0 : i32
      %dma_start3A_263 = tpu.memref_slice %dma_start3A_260[%dma_start3A_261, %dma_start3A_262] : memref<10000x72xf32, #tpu.memory_space<hbm>> -> memref<10000x72xf32, #tpu.memory_space<hbm>>
      tpu.enqueue_indirect_dma source(%dma_start3A_263 : memref<10000x72xf32, #tpu.memory_space<hbm>>) target(%arg11 : memref<120x72xf32, #tpu.memory_space<vmem>>) offsets(%dma_start3A_256 : memref<120xi32, #tpu.memory_space<vmem>>) semaphore(%arg17 : memref<!tpu.dma_semaphore, #tpu.memory_space<semaphore_mem>>)
      %dma_wait3A_264 = arith.constant 0 : i32
      %dma_wait3A_265 = arith.constant 0 : i32
      %dma_wait3A_266 = tpu.memref_slice %arg8[%dma_wait3A_264, %dma_wait3A_265] : memref<168x120xi32, #tpu.memory_space<vmem>> -> memref<1x120xi32, #tpu.memory_space<vmem>>
      %dma_wait3A_267 = tpu.memref_squeeze %dma_wait3A_266 : memref<1x120xi32, #tpu.memory_space<vmem>> -> memref<120xi32, #tpu.memory_space<vmem>>
      %dma_wait3A_268 = arith.constant 0 : i32
      %dma_wait3A_269 = arith.constant 0 : i32
      %dma_wait3A_270 = tpu.memref_slice %arg14[%dma_wait3A_268, %dma_wait3A_269] : memref<10016x72xf32, #tpu.memory_space<vmem_shared>> -> memref<10016x72xf32, #tpu.memory_space<vmem_shared>>
      tpu.wait_indirect_dma semaphore(%arg22 : memref<!tpu.dma_semaphore, #tpu.memory_space<semaphore_mem>>) src(%arg12 : memref<120x72xf32, #tpu.memory_space<vmem>>) dst(%dma_wait3A_270 : memref<10016x72xf32, #tpu.memory_space<vmem_shared>>)
      %add3A_271 = arith.constant 3 : i32
      %add3A_272 = arith.addi %mul3A_206, %add3A_271 : i32
      %dma_start3A_273 = arith.constant 0 : i32
      %dma_start3A_274 = tpu.memref_slice %arg7[%add3A_272, %dma_start3A_273] : memref<168x120xi32, #tpu.memory_space<vmem>> -> memref<1x120xi32, #tpu.memory_space<vmem>>
      %dma_start3A_275 = tpu.memref_squeeze %dma_start3A_274 : memref<1x120xi32, #tpu.memory_space<vmem>> -> memref<120xi32, #tpu.memory_space<vmem>>
      %dma_start3A_276 = arith.constant 0 : i32
      %dma_start3A_277 = arith.constant 0 : i32
      %dma_start3A_278 = tpu.memref_slice %arg2[%arg0, %dma_start3A_276, %dma_start3A_277] : memref<2x10000x72xf32, #tpu.memory_space<hbm>> -> memref<1x10000x72xf32, #tpu.memory_space<hbm>>
      %dma_start3A_279 = tpu.memref_squeeze %dma_start3A_278 : memref<1x10000x72xf32, #tpu.memory_space<hbm>> -> memref<10000x72xf32, #tpu.memory_space<hbm>>
      %dma_start3A_280 = arith.constant 0 : i32
      %dma_start3A_281 = arith.constant 0 : i32
      %dma_start3A_282 = tpu.memref_slice %dma_start3A_279[%dma_start3A_280, %dma_start3A_281] : memref<10000x72xf32, #tpu.memory_space<hbm>> -> memref<10000x72xf32, #tpu.memory_space<hbm>>
      tpu.enqueue_indirect_dma source(%dma_start3A_282 : memref<10000x72xf32, #tpu.memory_space<hbm>>) target(%arg12 : memref<120x72xf32, #tpu.memory_space<vmem>>) offsets(%dma_start3A_275 : memref<120xi32, #tpu.memory_space<vmem>>) semaphore(%arg18 : memref<!tpu.dma_semaphore, #tpu.memory_space<semaphore_mem>>)
      %dma_wait3A_283 = arith.constant 0 : i32
      %dma_wait3A_284 = arith.constant 0 : i32
      %dma_wait3A_285 = tpu.memref_slice %arg7[%dma_wait3A_283, %dma_wait3A_284] : memref<168x120xi32, #tpu.memory_space<vmem>> -> memref<1x120xi32, #tpu.memory_space<vmem>>
      %dma_wait3A_286 = tpu.memref_squeeze %dma_wait3A_285 : memref<1x120xi32, #tpu.memory_space<vmem>> -> memref<120xi32, #tpu.memory_space<vmem>>
      %dma_wait3A_287 = arith.constant 0 : i32
      %dma_wait3A_288 = arith.constant 0 : i32
      %dma_wait3A_289 = tpu.memref_slice %arg2[%arg0, %dma_wait3A_287, %dma_wait3A_288] : memref<2x10000x72xf32, #tpu.memory_space<hbm>> -> memref<1x10000x72xf32, #tpu.memory_space<hbm>>
      %dma_wait3A_290 = tpu.memref_squeeze %dma_wait3A_289 : memref<1x10000x72xf32, #tpu.memory_space<hbm>> -> memref<10000x72xf32, #tpu.memory_space<hbm>>
      %dma_wait3A_291 = arith.constant 0 : i32
      %dma_wait3A_292 = arith.constant 0 : i32
      %dma_wait3A_293 = tpu.memref_slice %dma_wait3A_290[%dma_wait3A_291, %dma_wait3A_292] : memref<10000x72xf32, #tpu.memory_space<hbm>> -> memref<10000x72xf32, #tpu.memory_space<hbm>>
      tpu.wait_indirect_dma semaphore(%arg15 : memref<!tpu.dma_semaphore, #tpu.memory_space<semaphore_mem>>) src(%dma_wait3A_293 : memref<10000x72xf32, #tpu.memory_space<hbm>>) dst(%arg9 : memref<120x72xf32, #tpu.memory_space<vmem>>)
      %add3A_294 = arith.constant 0 : i32
      %add3A_295 = arith.addi %mul3A_206, %add3A_294 : i32
      %dma_start3A_296 = arith.constant 0 : i32
      %dma_start3A_297 = tpu.memref_slice %arg8[%add3A_295, %dma_start3A_296] : memref<168x120xi32, #tpu.memory_space<vmem>> -> memref<1x120xi32, #tpu.memory_space<vmem>>
      %dma_start3A_298 = tpu.memref_squeeze %dma_start3A_297 : memref<1x120xi32, #tpu.memory_space<vmem>> -> memref<120xi32, #tpu.memory_space<vmem>>
      %dma_start3A_299 = arith.constant 0 : i32
      %dma_start3A_300 = arith.constant 0 : i32
      %dma_start3A_301 = tpu.memref_slice %arg14[%dma_start3A_299, %dma_start3A_300] : memref<10016x72xf32, #tpu.memory_space<vmem_shared>> -> memref<10016x72xf32, #tpu.memory_space<vmem_shared>>
      tpu.enqueue_indirect_dma source(%arg9 : memref<120x72xf32, #tpu.memory_space<vmem>>) target(%dma_start3A_301 : memref<10016x72xf32, #tpu.memory_space<vmem_shared>>) offsets(%dma_start3A_298 : memref<120xi32, #tpu.memory_space<vmem>>) semaphore(%arg19 : memref<!tpu.dma_semaphore, #tpu.memory_space<semaphore_mem>>) {add = true}
      %dma_wait3A_302 = arith.constant 0 : i32
      %dma_wait3A_303 = arith.constant 0 : i32
      %dma_wait3A_304 = tpu.memref_slice %arg7[%dma_wait3A_302, %dma_wait3A_303] : memref<168x120xi32, #tpu.memory_space<vmem>> -> memref<1x120xi32, #tpu.memory_space<vmem>>
      %dma_wait3A_305 = tpu.memref_squeeze %dma_wait3A_304 : memref<1x120xi32, #tpu.memory_space<vmem>> -> memref<120xi32, #tpu.memory_space<vmem>>
      %dma_wait3A_306 = arith.constant 0 : i32
      %dma_wait3A_307 = arith.constant 0 : i32
      %dma_wait3A_308 = tpu.memref_slice %arg2[%arg0, %dma_wait3A_306, %dma_wait3A_307] : memref<2x10000x72xf32, #tpu.memory_space<hbm>> -> memref<1x10000x72xf32, #tpu.memory_space<hbm>>
      %dma_wait3A_309 = tpu.memref_squeeze %dma_wait3A_308 : memref<1x10000x72xf32, #tpu.memory_space<hbm>> -> memref<10000x72xf32, #tpu.memory_space<hbm>>
      %dma_wait3A_310 = arith.constant 0 : i32
      %dma_wait3A_311 = arith.constant 0 : i32
      %dma_wait3A_312 = tpu.memref_slice %dma_wait3A_309[%dma_wait3A_310, %dma_wait3A_311] : memref<10000x72xf32, #tpu.memory_space<hbm>> -> memref<10000x72xf32, #tpu.memory_space<hbm>>
      tpu.wait_indirect_dma semaphore(%arg16 : memref<!tpu.dma_semaphore, #tpu.memory_space<semaphore_mem>>) src(%dma_wait3A_312 : memref<10000x72xf32, #tpu.memory_space<hbm>>) dst(%arg10 : memref<120x72xf32, #tpu.memory_space<vmem>>)
      %add3A_313 = arith.constant 1 : i32
      %add3A_314 = arith.addi %mul3A_206, %add3A_313 : i32
      %dma_start3A_315 = arith.constant 0 : i32
      %dma_start3A_316 = tpu.memref_slice %arg8[%add3A_314, %dma_start3A_315] : memref<168x120xi32, #tpu.memory_space<vmem>> -> memref<1x120xi32, #tpu.memory_space<vmem>>
      %dma_start3A_317 = tpu.memref_squeeze %dma_start3A_316 : memref<1x120xi32, #tpu.memory_space<vmem>> -> memref<120xi32, #tpu.memory_space<vmem>>
      %dma_start3A_318 = arith.constant 0 : i32
      %dma_start3A_319 = arith.constant 0 : i32
      %dma_start3A_320 = tpu.memref_slice %arg14[%dma_start3A_318, %dma_start3A_319] : memref<10016x72xf32, #tpu.memory_space<vmem_shared>> -> memref<10016x72xf32, #tpu.memory_space<vmem_shared>>
      tpu.enqueue_indirect_dma source(%arg10 : memref<120x72xf32, #tpu.memory_space<vmem>>) target(%dma_start3A_320 : memref<10016x72xf32, #tpu.memory_space<vmem_shared>>) offsets(%dma_start3A_317 : memref<120xi32, #tpu.memory_space<vmem>>) semaphore(%arg20 : memref<!tpu.dma_semaphore, #tpu.memory_space<semaphore_mem>>) {add = true}
      %dma_wait3A_321 = arith.constant 0 : i32
      %dma_wait3A_322 = arith.constant 0 : i32
      %dma_wait3A_323 = tpu.memref_slice %arg7[%dma_wait3A_321, %dma_wait3A_322] : memref<168x120xi32, #tpu.memory_space<vmem>> -> memref<1x120xi32, #tpu.memory_space<vmem>>
      %dma_wait3A_324 = tpu.memref_squeeze %dma_wait3A_323 : memref<1x120xi32, #tpu.memory_space<vmem>> -> memref<120xi32, #tpu.memory_space<vmem>>
      %dma_wait3A_325 = arith.constant 0 : i32
      %dma_wait3A_326 = arith.constant 0 : i32
      %dma_wait3A_327 = tpu.memref_slice %arg2[%arg0, %dma_wait3A_325, %dma_wait3A_326] : memref<2x10000x72xf32, #tpu.memory_space<hbm>> -> memref<1x10000x72xf32, #tpu.memory_space<hbm>>
      %dma_wait3A_328 = tpu.memref_squeeze %dma_wait3A_327 : memref<1x10000x72xf32, #tpu.memory_space<hbm>> -> memref<10000x72xf32, #tpu.memory_space<hbm>>
      %dma_wait3A_329 = arith.constant 0 : i32
      %dma_wait3A_330 = arith.constant 0 : i32
      %dma_wait3A_331 = tpu.memref_slice %dma_wait3A_328[%dma_wait3A_329, %dma_wait3A_330] : memref<10000x72xf32, #tpu.memory_space<hbm>> -> memref<10000x72xf32, #tpu.memory_space<hbm>>
      tpu.wait_indirect_dma semaphore(%arg17 : memref<!tpu.dma_semaphore, #tpu.memory_space<semaphore_mem>>) src(%dma_wait3A_331 : memref<10000x72xf32, #tpu.memory_space<hbm>>) dst(%arg11 : memref<120x72xf32, #tpu.memory_space<vmem>>)
      %add3A_332 = arith.constant 2 : i32
      %add3A_333 = arith.addi %mul3A_206, %add3A_332 : i32
      %dma_start3A_334 = arith.constant 0 : i32
      %dma_start3A_335 = tpu.memref_slice %arg8[%add3A_333, %dma_start3A_334] : memref<168x120xi32, #tpu.memory_space<vmem>> -> memref<1x120xi32, #tpu.memory_space<vmem>>
      %dma_start3A_336 = tpu.memref_squeeze %dma_start3A_335 : memref<1x120xi32, #tpu.memory_space<vmem>> -> memref<120xi32, #tpu.memory_space<vmem>>
      %dma_start3A_337 = arith.constant 0 : i32
      %dma_start3A_338 = arith.constant 0 : i32
      %dma_start3A_339 = tpu.memref_slice %arg14[%dma_start3A_337, %dma_start3A_338] : memref<10016x72xf32, #tpu.memory_space<vmem_shared>> -> memref<10016x72xf32, #tpu.memory_space<vmem_shared>>
      tpu.enqueue_indirect_dma source(%arg11 : memref<120x72xf32, #tpu.memory_space<vmem>>) target(%dma_start3A_339 : memref<10016x72xf32, #tpu.memory_space<vmem_shared>>) offsets(%dma_start3A_336 : memref<120xi32, #tpu.memory_space<vmem>>) semaphore(%arg21 : memref<!tpu.dma_semaphore, #tpu.memory_space<semaphore_mem>>) {add = true}
      %dma_wait3A_340 = arith.constant 0 : i32
      %dma_wait3A_341 = arith.constant 0 : i32
      %dma_wait3A_342 = tpu.memref_slice %arg7[%dma_wait3A_340, %dma_wait3A_341] : memref<168x120xi32, #tpu.memory_space<vmem>> -> memref<1x120xi32, #tpu.memory_space<vmem>>
      %dma_wait3A_343 = tpu.memref_squeeze %dma_wait3A_342 : memref<1x120xi32, #tpu.memory_space<vmem>> -> memref<120xi32, #tpu.memory_space<vmem>>
      %dma_wait3A_344 = arith.constant 0 : i32
      %dma_wait3A_345 = arith.constant 0 : i32
      %dma_wait3A_346 = tpu.memref_slice %arg2[%arg0, %dma_wait3A_344, %dma_wait3A_345] : memref<2x10000x72xf32, #tpu.memory_space<hbm>> -> memref<1x10000x72xf32, #tpu.memory_space<hbm>>
      %dma_wait3A_347 = tpu.memref_squeeze %dma_wait3A_346 : memref<1x10000x72xf32, #tpu.memory_space<hbm>> -> memref<10000x72xf32, #tpu.memory_space<hbm>>
      %dma_wait3A_348 = arith.constant 0 : i32
      %dma_wait3A_349 = arith.constant 0 : i32
      %dma_wait3A_350 = tpu.memref_slice %dma_wait3A_347[%dma_wait3A_348, %dma_wait3A_349] : memref<10000x72xf32, #tpu.memory_space<hbm>> -> memref<10000x72xf32, #tpu.memory_space<hbm>>
      tpu.wait_indirect_dma semaphore(%arg18 : memref<!tpu.dma_semaphore, #tpu.memory_space<semaphore_mem>>) src(%dma_wait3A_350 : memref<10000x72xf32, #tpu.memory_space<hbm>>) dst(%arg12 : memref<120x72xf32, #tpu.memory_space<vmem>>)
      %add3A_351 = arith.constant 3 : i32
      %add3A_352 = arith.addi %mul3A_206, %add3A_351 : i32
      %dma_start3A_353 = arith.constant 0 : i32
      %dma_start3A_354 = tpu.memref_slice %arg8[%add3A_352, %dma_start3A_353] : memref<168x120xi32, #tpu.memory_space<vmem>> -> memref<1x120xi32, #tpu.memory_space<vmem>>
      %dma_start3A_355 = tpu.memref_squeeze %dma_start3A_354 : memref<1x120xi32, #tpu.memory_space<vmem>> -> memref<120xi32, #tpu.memory_space<vmem>>
      %dma_start3A_356 = arith.constant 0 : i32
      %dma_start3A_357 = arith.constant 0 : i32
      %dma_start3A_358 = tpu.memref_slice %arg14[%dma_start3A_356, %dma_start3A_357] : memref<10016x72xf32, #tpu.memory_space<vmem_shared>> -> memref<10016x72xf32, #tpu.memory_space<vmem_shared>>
      tpu.enqueue_indirect_dma source(%arg12 : memref<120x72xf32, #tpu.memory_space<vmem>>) target(%dma_start3A_358 : memref<10016x72xf32, #tpu.memory_space<vmem_shared>>) offsets(%dma_start3A_355 : memref<120xi32, #tpu.memory_space<vmem>>) semaphore(%arg22 : memref<!tpu.dma_semaphore, #tpu.memory_space<semaphore_mem>>) {add = true}
    }
    %scan3A_150 = arith.constant 41 : i32
    %dma_wait3A_151 = arith.constant 0 : i32
    %dma_wait3A_152 = arith.constant 0 : i32
    %dma_wait3A_153 = tpu.memref_slice %arg8[%dma_wait3A_151, %dma_wait3A_152] : memref<168x120xi32, #tpu.memory_space<vmem>> -> memref<1x120xi32, #tpu.memory_space<vmem>>
    %dma_wait3A_154 = tpu.memref_squeeze %dma_wait3A_153 : memref<1x120xi32, #tpu.memory_space<vmem>> -> memref<120xi32, #tpu.memory_space<vmem>>
    %dma_wait3A_155 = arith.constant 0 : i32
    %dma_wait3A_156 = arith.constant 0 : i32
    %dma_wait3A_157 = tpu.memref_slice %arg14[%dma_wait3A_155, %dma_wait3A_156] : memref<10016x72xf32, #tpu.memory_space<vmem_shared>> -> memref<10016x72xf32, #tpu.memory_space<vmem_shared>>
    tpu.wait_indirect_dma semaphore(%arg19 : memref<!tpu.dma_semaphore, #tpu.memory_space<semaphore_mem>>) src(%arg9 : memref<120x72xf32, #tpu.memory_space<vmem>>) dst(%dma_wait3A_157 : memref<10016x72xf32, #tpu.memory_space<vmem_shared>>)
    %dma_wait3A_158 = arith.constant 0 : i32
    %dma_wait3A_159 = arith.constant 0 : i32
    %dma_wait3A_160 = tpu.memref_slice %arg8[%dma_wait3A_158, %dma_wait3A_159] : memref<168x120xi32, #tpu.memory_space<vmem>> -> memref<1x120xi32, #tpu.memory_space<vmem>>
    %dma_wait3A_161 = tpu.memref_squeeze %dma_wait3A_160 : memref<1x120xi32, #tpu.memory_space<vmem>> -> memref<120xi32, #tpu.memory_space<vmem>>
    %dma_wait3A_162 = arith.constant 0 : i32
    %dma_wait3A_163 = arith.constant 0 : i32
    %dma_wait3A_164 = tpu.memref_slice %arg14[%dma_wait3A_162, %dma_wait3A_163] : memref<10016x72xf32, #tpu.memory_space<vmem_shared>> -> memref<10016x72xf32, #tpu.memory_space<vmem_shared>>
    tpu.wait_indirect_dma semaphore(%arg20 : memref<!tpu.dma_semaphore, #tpu.memory_space<semaphore_mem>>) src(%arg10 : memref<120x72xf32, #tpu.memory_space<vmem>>) dst(%dma_wait3A_164 : memref<10016x72xf32, #tpu.memory_space<vmem_shared>>)
    %dma_wait3A_165 = arith.constant 0 : i32
    %dma_wait3A_166 = arith.constant 0 : i32
    %dma_wait3A_167 = tpu.memref_slice %arg8[%dma_wait3A_165, %dma_wait3A_166] : memref<168x120xi32, #tpu.memory_space<vmem>> -> memref<1x120xi32, #tpu.memory_space<vmem>>
    %dma_wait3A_168 = tpu.memref_squeeze %dma_wait3A_167 : memref<1x120xi32, #tpu.memory_space<vmem>> -> memref<120xi32, #tpu.memory_space<vmem>>
    %dma_wait3A_169 = arith.constant 0 : i32
    %dma_wait3A_170 = arith.constant 0 : i32
    %dma_wait3A_171 = tpu.memref_slice %arg14[%dma_wait3A_169, %dma_wait3A_170] : memref<10016x72xf32, #tpu.memory_space<vmem_shared>> -> memref<10016x72xf32, #tpu.memory_space<vmem_shared>>
    tpu.wait_indirect_dma semaphore(%arg21 : memref<!tpu.dma_semaphore, #tpu.memory_space<semaphore_mem>>) src(%arg11 : memref<120x72xf32, #tpu.memory_space<vmem>>) dst(%dma_wait3A_171 : memref<10016x72xf32, #tpu.memory_space<vmem_shared>>)
    %dma_wait3A_172 = arith.constant 0 : i32
    %dma_wait3A_173 = arith.constant 0 : i32
    %dma_wait3A_174 = tpu.memref_slice %arg8[%dma_wait3A_172, %dma_wait3A_173] : memref<168x120xi32, #tpu.memory_space<vmem>> -> memref<1x120xi32, #tpu.memory_space<vmem>>
    %dma_wait3A_175 = tpu.memref_squeeze %dma_wait3A_174 : memref<1x120xi32, #tpu.memory_space<vmem>> -> memref<120xi32, #tpu.memory_space<vmem>>
    %dma_wait3A_176 = arith.constant 0 : i32
    %dma_wait3A_177 = arith.constant 0 : i32
    %dma_wait3A_178 = tpu.memref_slice %arg14[%dma_wait3A_176, %dma_wait3A_177] : memref<10016x72xf32, #tpu.memory_space<vmem_shared>> -> memref<10016x72xf32, #tpu.memory_space<vmem_shared>>
    tpu.wait_indirect_dma semaphore(%arg22 : memref<!tpu.dma_semaphore, #tpu.memory_space<semaphore_mem>>) src(%arg12 : memref<120x72xf32, #tpu.memory_space<vmem>>) dst(%dma_wait3A_178 : memref<10016x72xf32, #tpu.memory_space<vmem_shared>>)
    %barrier3A_179 = arith.constant 0 : index
    tpu.barrier barrier_id(%barrier3A_179)
    %add3A_180 = arith.constant 0 : i32
    %add3A_181 = arith.addi %mul3A_0, %add3A_180 : i32
    "tpu.region"() ({
      %run_scoped3A = tpu.sem_alloc : memref<!tpu.dma_semaphore, #tpu.memory_space<semaphore_mem>>
      %dma_start3A_204 = arith.constant 0 : i32
      %dma_start3A_205 = arith.constant 0 : i32
      %dma_start3A_206 = tpu.memref_slice %arg9[%dma_start3A_204, %dma_start3A_205] : memref<120x72xf32, #tpu.memory_space<vmem>> -> memref<120x72xf32, #tpu.memory_space<vmem>>
      %dma_start3A_207 = arith.constant 0 : i32
      %dma_start3A_208 = tpu.memref_slice %arg14[%add3A_181, %dma_start3A_207] : memref<10016x72xf32, #tpu.memory_space<vmem_shared>> -> memref<120x72xf32, #tpu.memory_space<vmem_shared>>
      %dma_start3A_209 = arith.constant 0 : i32
      %dma_start3A_210 = arith.constant 0 : i32
      %dma_start3A_211 = tpu.memref_slice %arg9[%dma_start3A_209, %dma_start3A_210] : memref<120x72xf32, #tpu.memory_space<vmem>> -> memref<120x72xf32, #tpu.memory_space<vmem>>
      %dma_start3A_212 = arith.constant 0 : i32
      %dma_start3A_213 = tpu.memref_slice %arg14[%add3A_181, %dma_start3A_212] : memref<10016x72xf32, #tpu.memory_space<vmem_shared>> -> memref<120x72xf32, #tpu.memory_space<vmem_shared>>
      tpu.enqueue_dma source(%dma_start3A_213 : memref<120x72xf32, #tpu.memory_space<vmem_shared>>) target(%dma_start3A_211 : memref<120x72xf32, #tpu.memory_space<vmem>>) target_semaphore(%run_scoped3A : memref<!tpu.dma_semaphore, #tpu.memory_space<semaphore_mem>>)
      %dma_wait3A_214 = arith.constant 0 : i32
      %dma_wait3A_215 = arith.constant 0 : i32
      %dma_wait3A_216 = tpu.memref_slice %arg9[%dma_wait3A_214, %dma_wait3A_215] : memref<120x72xf32, #tpu.memory_space<vmem>> -> memref<120x72xf32, #tpu.memory_space<vmem>>
      %dma_wait3A_217 = arith.constant 0 : i32
      %dma_wait3A_218 = tpu.memref_slice %arg14[%add3A_181, %dma_wait3A_217] : memref<10016x72xf32, #tpu.memory_space<vmem_shared>> -> memref<120x72xf32, #tpu.memory_space<vmem_shared>>
      %dma_wait3A_219 = arith.constant 0 : i32
      %dma_wait3A_220 = arith.constant 0 : i32
      %dma_wait3A_221 = tpu.memref_slice %arg9[%dma_wait3A_219, %dma_wait3A_220] : memref<120x72xf32, #tpu.memory_space<vmem>> -> memref<120x72xf32, #tpu.memory_space<vmem>>
      %dma_wait3A_222 = arith.constant 0 : i32
      %dma_wait3A_223 = tpu.memref_slice %arg14[%add3A_181, %dma_wait3A_222] : memref<10016x72xf32, #tpu.memory_space<vmem_shared>> -> memref<120x72xf32, #tpu.memory_space<vmem_shared>>
      tpu.wait_dma2 semaphore(%run_scoped3A : memref<!tpu.dma_semaphore, #tpu.memory_space<semaphore_mem>>) src(%dma_wait3A_223 : memref<120x72xf32, #tpu.memory_space<vmem_shared>>) dst(%dma_wait3A_221 : memref<120x72xf32, #tpu.memory_space<vmem>>)
      tpu.yield
    }) : () -> ()
    %add3A_182 = arith.constant 0 : i32
    %add3A_183 = arith.addi %mul3A_0, %add3A_182 : i32
    "tpu.region"() ({
      %run_scoped3A = tpu.sem_alloc : memref<!tpu.dma_semaphore, #tpu.memory_space<semaphore_mem>>
      %dma_start3A_204 = arith.constant 0 : i32
      %dma_start3A_205 = arith.constant 0 : i32
      %dma_start3A_206 = tpu.memref_slice %arg9[%dma_start3A_204, %dma_start3A_205] : memref<120x72xf32, #tpu.memory_space<vmem>> -> memref<120x72xf32, #tpu.memory_space<vmem>>
      %dma_start3A_207 = arith.constant 0 : i32
      %dma_start3A_208 = tpu.memref_slice %arg6[%arg0, %add3A_183, %dma_start3A_207] : memref<2x10000x72xf32, #tpu.memory_space<hbm>> -> memref<1x120x72xf32, #tpu.memory_space<hbm>>
      %dma_start3A_209 = tpu.memref_squeeze %dma_start3A_208 : memref<1x120x72xf32, #tpu.memory_space<hbm>> -> memref<120x72xf32, #tpu.memory_space<hbm>>
      %dma_start3A_210 = arith.constant 0 : i32
      %dma_start3A_211 = tpu.memref_slice %arg6[%arg0, %add3A_183, %dma_start3A_210] : memref<2x10000x72xf32, #tpu.memory_space<hbm>> -> memref<1x120x72xf32, #tpu.memory_space<hbm>>
      %dma_start3A_212 = tpu.memref_squeeze %dma_start3A_211 : memref<1x120x72xf32, #tpu.memory_space<hbm>> -> memref<120x72xf32, #tpu.memory_space<hbm>>
      %dma_start3A_213 = arith.constant 0 : i32
      %dma_start3A_214 = arith.constant 0 : i32
      %dma_start3A_215 = tpu.memref_slice %arg9[%dma_start3A_213, %dma_start3A_214] : memref<120x72xf32, #tpu.memory_space<vmem>> -> memref<120x72xf32, #tpu.memory_space<vmem>>
      tpu.enqueue_dma source(%dma_start3A_215 : memref<120x72xf32, #tpu.memory_space<vmem>>) target(%dma_start3A_212 : memref<120x72xf32, #tpu.memory_space<hbm>>) target_semaphore(%run_scoped3A : memref<!tpu.dma_semaphore, #tpu.memory_space<semaphore_mem>>)
      %dma_wait3A_216 = arith.constant 0 : i32
      %dma_wait3A_217 = arith.constant 0 : i32
      %dma_wait3A_218 = tpu.memref_slice %arg9[%dma_wait3A_216, %dma_wait3A_217] : memref<120x72xf32, #tpu.memory_space<vmem>> -> memref<120x72xf32, #tpu.memory_space<vmem>>
      %dma_wait3A_219 = arith.constant 0 : i32
      %dma_wait3A_220 = tpu.memref_slice %arg6[%arg0, %add3A_183, %dma_wait3A_219] : memref<2x10000x72xf32, #tpu.memory_space<hbm>> -> memref<1x120x72xf32, #tpu.memory_space<hbm>>
      %dma_wait3A_221 = tpu.memref_squeeze %dma_wait3A_220 : memref<1x120x72xf32, #tpu.memory_space<hbm>> -> memref<120x72xf32, #tpu.memory_space<hbm>>
      %dma_wait3A_222 = arith.constant 0 : i32
      %dma_wait3A_223 = tpu.memref_slice %arg6[%arg0, %add3A_183, %dma_wait3A_222] : memref<2x10000x72xf32, #tpu.memory_space<hbm>> -> memref<1x120x72xf32, #tpu.memory_space<hbm>>
      %dma_wait3A_224 = tpu.memref_squeeze %dma_wait3A_223 : memref<1x120x72xf32, #tpu.memory_space<hbm>> -> memref<120x72xf32, #tpu.memory_space<hbm>>
      %dma_wait3A_225 = arith.constant 0 : i32
      %dma_wait3A_226 = arith.constant 0 : i32
      %dma_wait3A_227 = tpu.memref_slice %arg9[%dma_wait3A_225, %dma_wait3A_226] : memref<120x72xf32, #tpu.memory_space<vmem>> -> memref<120x72xf32, #tpu.memory_space<vmem>>
      tpu.wait_dma2 semaphore(%run_scoped3A : memref<!tpu.dma_semaphore, #tpu.memory_space<semaphore_mem>>) src(%dma_wait3A_227 : memref<120x72xf32, #tpu.memory_space<vmem>>) dst(%dma_wait3A_224 : memref<120x72xf32, #tpu.memory_space<hbm>>)
      tpu.yield
    }) : () -> ()
    %add3A_184 = arith.constant 120 : i32
    %add3A_185 = arith.addi %mul3A_0, %add3A_184 : i32
    "tpu.region"() ({
      %run_scoped3A = tpu.sem_alloc : memref<!tpu.dma_semaphore, #tpu.memory_space<semaphore_mem>>
      %dma_start3A_204 = arith.constant 0 : i32
      %dma_start3A_205 = arith.constant 0 : i32
      %dma_start3A_206 = tpu.memref_slice %arg9[%dma_start3A_204, %dma_start3A_205] : memref<120x72xf32, #tpu.memory_space<vmem>> -> memref<120x72xf32, #tpu.memory_space<vmem>>
      %dma_start3A_207 = arith.constant 0 : i32
      %dma_start3A_208 = tpu.memref_slice %arg14[%add3A_185, %dma_start3A_207] : memref<10016x72xf32, #tpu.memory_space<vmem_shared>> -> memref<120x72xf32, #tpu.memory_space<vmem_shared>>
      %dma_start3A_209 = arith.constant 0 : i32
      %dma_start3A_210 = arith.constant 0 : i32
      %dma_start3A_211 = tpu.memref_slice %arg9[%dma_start3A_209, %dma_start3A_210] : memref<120x72xf32, #tpu.memory_space<vmem>> -> memref<120x72xf32, #tpu.memory_space<vmem>>
      %dma_start3A_212 = arith.constant 0 : i32
      %dma_start3A_213 = tpu.memref_slice %arg14[%add3A_185, %dma_start3A_212] : memref<10016x72xf32, #tpu.memory_space<vmem_shared>> -> memref<120x72xf32, #tpu.memory_space<vmem_shared>>
      tpu.enqueue_dma source(%dma_start3A_213 : memref<120x72xf32, #tpu.memory_space<vmem_shared>>) target(%dma_start3A_211 : memref<120x72xf32, #tpu.memory_space<vmem>>) target_semaphore(%run_scoped3A : memref<!tpu.dma_semaphore, #tpu.memory_space<semaphore_mem>>)
      %dma_wait3A_214 = arith.constant 0 : i32
      %dma_wait3A_215 = arith.constant 0 : i32
      %dma_wait3A_216 = tpu.memref_slice %arg9[%dma_wait3A_214, %dma_wait3A_215] : memref<120x72xf32, #tpu.memory_space<vmem>> -> memref<120x72xf32, #tpu.memory_space<vmem>>
      %dma_wait3A_217 = arith.constant 0 : i32
      %dma_wait3A_218 = tpu.memref_slice %arg14[%add3A_185, %dma_wait3A_217] : memref<10016x72xf32, #tpu.memory_space<vmem_shared>> -> memref<120x72xf32, #tpu.memory_space<vmem_shared>>
      %dma_wait3A_219 = arith.constant 0 : i32
      %dma_wait3A_220 = arith.constant 0 : i32
      %dma_wait3A_221 = tpu.memref_slice %arg9[%dma_wait3A_219, %dma_wait3A_220] : memref<120x72xf32, #tpu.memory_space<vmem>> -> memref<120x72xf32, #tpu.memory_space<vmem>>
      %dma_wait3A_222 = arith.constant 0 : i32
      %dma_wait3A_223 = tpu.memref_slice %arg14[%add3A_185, %dma_wait3A_222] : memref<10016x72xf32, #tpu.memory_space<vmem_shared>> -> memref<120x72xf32, #tpu.memory_space<vmem_shared>>
      tpu.wait_dma2 semaphore(%run_scoped3A : memref<!tpu.dma_semaphore, #tpu.memory_space<semaphore_mem>>) src(%dma_wait3A_223 : memref<120x72xf32, #tpu.memory_space<vmem_shared>>) dst(%dma_wait3A_221 : memref<120x72xf32, #tpu.memory_space<vmem>>)
      tpu.yield
    }) : () -> ()
    %add3A_186 = arith.constant 120 : i32
    %add3A_187 = arith.addi %mul3A_0, %add3A_186 : i32
    "tpu.region"() ({
      %run_scoped3A = tpu.sem_alloc : memref<!tpu.dma_semaphore, #tpu.memory_space<semaphore_mem>>
      %dma_start3A_204 = arith.constant 0 : i32
      %dma_start3A_205 = arith.constant 0 : i32
      %dma_start3A_206 = tpu.memref_slice %arg9[%dma_start3A_204, %dma_start3A_205] : memref<120x72xf32, #tpu.memory_space<vmem>> -> memref<120x72xf32, #tpu.memory_space<vmem>>
      %dma_start3A_207 = arith.constant 0 : i32
      %dma_start3A_208 = tpu.memref_slice %arg6[%arg0, %add3A_187, %dma_start3A_207] : memref<2x10000x72xf32, #tpu.memory_space<hbm>> -> memref<1x120x72xf32, #tpu.memory_space<hbm>>
      %dma_start3A_209 = tpu.memref_squeeze %dma_start3A_208 : memref<1x120x72xf32, #tpu.memory_space<hbm>> -> memref<120x72xf32, #tpu.memory_space<hbm>>
      %dma_start3A_210 = arith.constant 0 : i32
      %dma_start3A_211 = tpu.memref_slice %arg6[%arg0, %add3A_187, %dma_start3A_210] : memref<2x10000x72xf32, #tpu.memory_space<hbm>> -> memref<1x120x72xf32, #tpu.memory_space<hbm>>
      %dma_start3A_212 = tpu.memref_squeeze %dma_start3A_211 : memref<1x120x72xf32, #tpu.memory_space<hbm>> -> memref<120x72xf32, #tpu.memory_space<hbm>>
      %dma_start3A_213 = arith.constant 0 : i32
      %dma_start3A_214 = arith.constant 0 : i32
      %dma_start3A_215 = tpu.memref_slice %arg9[%dma_start3A_213, %dma_start3A_214] : memref<120x72xf32, #tpu.memory_space<vmem>> -> memref<120x72xf32, #tpu.memory_space<vmem>>
      tpu.enqueue_dma source(%dma_start3A_215 : memref<120x72xf32, #tpu.memory_space<vmem>>) target(%dma_start3A_212 : memref<120x72xf32, #tpu.memory_space<hbm>>) target_semaphore(%run_scoped3A : memref<!tpu.dma_semaphore, #tpu.memory_space<semaphore_mem>>)
      %dma_wait3A_216 = arith.constant 0 : i32
      %dma_wait3A_217 = arith.constant 0 : i32
      %dma_wait3A_218 = tpu.memref_slice %arg9[%dma_wait3A_216, %dma_wait3A_217] : memref<120x72xf32, #tpu.memory_space<vmem>> -> memref<120x72xf32, #tpu.memory_space<vmem>>
      %dma_wait3A_219 = arith.constant 0 : i32
      %dma_wait3A_220 = tpu.memref_slice %arg6[%arg0, %add3A_187, %dma_wait3A_219] : memref<2x10000x72xf32, #tpu.memory_space<hbm>> -> memref<1x120x72xf32, #tpu.memory_space<hbm>>
      %dma_wait3A_221 = tpu.memref_squeeze %dma_wait3A_220 : memref<1x120x72xf32, #tpu.memory_space<hbm>> -> memref<120x72xf32, #tpu.memory_space<hbm>>
      %dma_wait3A_222 = arith.constant 0 : i32
      %dma_wait3A_223 = tpu.memref_slice %arg6[%arg0, %add3A_187, %dma_wait3A_222] : memref<2x10000x72xf32, #tpu.memory_space<hbm>> -> memref<1x120x72xf32, #tpu.memory_space<hbm>>
      %dma_wait3A_224 = tpu.memref_squeeze %dma_wait3A_223 : memref<1x120x72xf32, #tpu.memory_space<hbm>> -> memref<120x72xf32, #tpu.memory_space<hbm>>
      %dma_wait3A_225 = arith.constant 0 : i32
      %dma_wait3A_226 = arith.constant 0 : i32
      %dma_wait3A_227 = tpu.memref_slice %arg9[%dma_wait3A_225, %dma_wait3A_226] : memref<120x72xf32, #tpu.memory_space<vmem>> -> memref<120x72xf32, #tpu.memory_space<vmem>>
      tpu.wait_dma2 semaphore(%run_scoped3A : memref<!tpu.dma_semaphore, #tpu.memory_space<semaphore_mem>>) src(%dma_wait3A_227 : memref<120x72xf32, #tpu.memory_space<vmem>>) dst(%dma_wait3A_224 : memref<120x72xf32, #tpu.memory_space<hbm>>)
      tpu.yield
    }) : () -> ()
    %add3A_188 = arith.constant 240 : i32
    %add3A_189 = arith.addi %mul3A_0, %add3A_188 : i32
    "tpu.region"() ({
      %run_scoped3A = tpu.sem_alloc : memref<!tpu.dma_semaphore, #tpu.memory_space<semaphore_mem>>
      %dma_start3A_204 = arith.constant 0 : i32
      %dma_start3A_205 = arith.constant 0 : i32
      %dma_start3A_206 = tpu.memref_slice %arg9[%dma_start3A_204, %dma_start3A_205] : memref<120x72xf32, #tpu.memory_space<vmem>> -> memref<120x72xf32, #tpu.memory_space<vmem>>
      %dma_start3A_207 = arith.constant 0 : i32
      %dma_start3A_208 = tpu.memref_slice %arg14[%add3A_189, %dma_start3A_207] : memref<10016x72xf32, #tpu.memory_space<vmem_shared>> -> memref<120x72xf32, #tpu.memory_space<vmem_shared>>
      %dma_start3A_209 = arith.constant 0 : i32
      %dma_start3A_210 = arith.constant 0 : i32
      %dma_start3A_211 = tpu.memref_slice %arg9[%dma_start3A_209, %dma_start3A_210] : memref<120x72xf32, #tpu.memory_space<vmem>> -> memref<120x72xf32, #tpu.memory_space<vmem>>
      %dma_start3A_212 = arith.constant 0 : i32
      %dma_start3A_213 = tpu.memref_slice %arg14[%add3A_189, %dma_start3A_212] : memref<10016x72xf32, #tpu.memory_space<vmem_shared>> -> memref<120x72xf32, #tpu.memory_space<vmem_shared>>
      tpu.enqueue_dma source(%dma_start3A_213 : memref<120x72xf32, #tpu.memory_space<vmem_shared>>) target(%dma_start3A_211 : memref<120x72xf32, #tpu.memory_space<vmem>>) target_semaphore(%run_scoped3A : memref<!tpu.dma_semaphore, #tpu.memory_space<semaphore_mem>>)
      %dma_wait3A_214 = arith.constant 0 : i32
      %dma_wait3A_215 = arith.constant 0 : i32
      %dma_wait3A_216 = tpu.memref_slice %arg9[%dma_wait3A_214, %dma_wait3A_215] : memref<120x72xf32, #tpu.memory_space<vmem>> -> memref<120x72xf32, #tpu.memory_space<vmem>>
      %dma_wait3A_217 = arith.constant 0 : i32
      %dma_wait3A_218 = tpu.memref_slice %arg14[%add3A_189, %dma_wait3A_217] : memref<10016x72xf32, #tpu.memory_space<vmem_shared>> -> memref<120x72xf32, #tpu.memory_space<vmem_shared>>
      %dma_wait3A_219 = arith.constant 0 : i32
      %dma_wait3A_220 = arith.constant 0 : i32
      %dma_wait3A_221 = tpu.memref_slice %arg9[%dma_wait3A_219, %dma_wait3A_220] : memref<120x72xf32, #tpu.memory_space<vmem>> -> memref<120x72xf32, #tpu.memory_space<vmem>>
      %dma_wait3A_222 = arith.constant 0 : i32
      %dma_wait3A_223 = tpu.memref_slice %arg14[%add3A_189, %dma_wait3A_222] : memref<10016x72xf32, #tpu.memory_space<vmem_shared>> -> memref<120x72xf32, #tpu.memory_space<vmem_shared>>
      tpu.wait_dma2 semaphore(%run_scoped3A : memref<!tpu.dma_semaphore, #tpu.memory_space<semaphore_mem>>) src(%dma_wait3A_223 : memref<120x72xf32, #tpu.memory_space<vmem_shared>>) dst(%dma_wait3A_221 : memref<120x72xf32, #tpu.memory_space<vmem>>)
      tpu.yield
    }) : () -> ()
    %add3A_190 = arith.constant 240 : i32
    %add3A_191 = arith.addi %mul3A_0, %add3A_190 : i32
    "tpu.region"() ({
      %run_scoped3A = tpu.sem_alloc : memref<!tpu.dma_semaphore, #tpu.memory_space<semaphore_mem>>
      %dma_start3A_204 = arith.constant 0 : i32
      %dma_start3A_205 = arith.constant 0 : i32
      %dma_start3A_206 = tpu.memref_slice %arg9[%dma_start3A_204, %dma_start3A_205] : memref<120x72xf32, #tpu.memory_space<vmem>> -> memref<120x72xf32, #tpu.memory_space<vmem>>
      %dma_start3A_207 = arith.constant 0 : i32
      %dma_start3A_208 = tpu.memref_slice %arg6[%arg0, %add3A_191, %dma_start3A_207] : memref<2x10000x72xf32, #tpu.memory_space<hbm>> -> memref<1x120x72xf32, #tpu.memory_space<hbm>>
      %dma_start3A_209 = tpu.memref_squeeze %dma_start3A_208 : memref<1x120x72xf32, #tpu.memory_space<hbm>> -> memref<120x72xf32, #tpu.memory_space<hbm>>
      %dma_start3A_210 = arith.constant 0 : i32
      %dma_start3A_211 = tpu.memref_slice %arg6[%arg0, %add3A_191, %dma_start3A_210] : memref<2x10000x72xf32, #tpu.memory_space<hbm>> -> memref<1x120x72xf32, #tpu.memory_space<hbm>>
      %dma_start3A_212 = tpu.memref_squeeze %dma_start3A_211 : memref<1x120x72xf32, #tpu.memory_space<hbm>> -> memref<120x72xf32, #tpu.memory_space<hbm>>
      %dma_start3A_213 = arith.constant 0 : i32
      %dma_start3A_214 = arith.constant 0 : i32
      %dma_start3A_215 = tpu.memref_slice %arg9[%dma_start3A_213, %dma_start3A_214] : memref<120x72xf32, #tpu.memory_space<vmem>> -> memref<120x72xf32, #tpu.memory_space<vmem>>
      tpu.enqueue_dma source(%dma_start3A_215 : memref<120x72xf32, #tpu.memory_space<vmem>>) target(%dma_start3A_212 : memref<120x72xf32, #tpu.memory_space<hbm>>) target_semaphore(%run_scoped3A : memref<!tpu.dma_semaphore, #tpu.memory_space<semaphore_mem>>)
      %dma_wait3A_216 = arith.constant 0 : i32
      %dma_wait3A_217 = arith.constant 0 : i32
      %dma_wait3A_218 = tpu.memref_slice %arg9[%dma_wait3A_216, %dma_wait3A_217] : memref<120x72xf32, #tpu.memory_space<vmem>> -> memref<120x72xf32, #tpu.memory_space<vmem>>
      %dma_wait3A_219 = arith.constant 0 : i32
      %dma_wait3A_220 = tpu.memref_slice %arg6[%arg0, %add3A_191, %dma_wait3A_219] : memref<2x10000x72xf32, #tpu.memory_space<hbm>> -> memref<1x120x72xf32, #tpu.memory_space<hbm>>
      %dma_wait3A_221 = tpu.memref_squeeze %dma_wait3A_220 : memref<1x120x72xf32, #tpu.memory_space<hbm>> -> memref<120x72xf32, #tpu.memory_space<hbm>>
      %dma_wait3A_222 = arith.constant 0 : i32
      %dma_wait3A_223 = tpu.memref_slice %arg6[%arg0, %add3A_191, %dma_wait3A_222] : memref<2x10000x72xf32, #tpu.memory_space<hbm>> -> memref<1x120x72xf32, #tpu.memory_space<hbm>>
      %dma_wait3A_224 = tpu.memref_squeeze %dma_wait3A_223 : memref<1x120x72xf32, #tpu.memory_space<hbm>> -> memref<120x72xf32, #tpu.memory_space<hbm>>
      %dma_wait3A_225 = arith.constant 0 : i32
      %dma_wait3A_226 = arith.constant 0 : i32
      %dma_wait3A_227 = tpu.memref_slice %arg9[%dma_wait3A_225, %dma_wait3A_226] : memref<120x72xf32, #tpu.memory_space<vmem>> -> memref<120x72xf32, #tpu.memory_space<vmem>>
      tpu.wait_dma2 semaphore(%run_scoped3A : memref<!tpu.dma_semaphore, #tpu.memory_space<semaphore_mem>>) src(%dma_wait3A_227 : memref<120x72xf32, #tpu.memory_space<vmem>>) dst(%dma_wait3A_224 : memref<120x72xf32, #tpu.memory_space<hbm>>)
      tpu.yield
    }) : () -> ()
    %add3A_192 = arith.constant 360 : i32
    %add3A_193 = arith.addi %mul3A_0, %add3A_192 : i32
    "tpu.region"() ({
      %run_scoped3A = tpu.sem_alloc : memref<!tpu.dma_semaphore, #tpu.memory_space<semaphore_mem>>
      %dma_start3A_204 = arith.constant 0 : i32
      %dma_start3A_205 = arith.constant 0 : i32
      %dma_start3A_206 = tpu.memref_slice %arg9[%dma_start3A_204, %dma_start3A_205] : memref<120x72xf32, #tpu.memory_space<vmem>> -> memref<120x72xf32, #tpu.memory_space<vmem>>
      %dma_start3A_207 = arith.constant 0 : i32
      %dma_start3A_208 = tpu.memref_slice %arg14[%add3A_193, %dma_start3A_207] : memref<10016x72xf32, #tpu.memory_space<vmem_shared>> -> memref<120x72xf32, #tpu.memory_space<vmem_shared>>
      %dma_start3A_209 = arith.constant 0 : i32
      %dma_start3A_210 = arith.constant 0 : i32
      %dma_start3A_211 = tpu.memref_slice %arg9[%dma_start3A_209, %dma_start3A_210] : memref<120x72xf32, #tpu.memory_space<vmem>> -> memref<120x72xf32, #tpu.memory_space<vmem>>
      %dma_start3A_212 = arith.constant 0 : i32
      %dma_start3A_213 = tpu.memref_slice %arg14[%add3A_193, %dma_start3A_212] : memref<10016x72xf32, #tpu.memory_space<vmem_shared>> -> memref<120x72xf32, #tpu.memory_space<vmem_shared>>
      tpu.enqueue_dma source(%dma_start3A_213 : memref<120x72xf32, #tpu.memory_space<vmem_shared>>) target(%dma_start3A_211 : memref<120x72xf32, #tpu.memory_space<vmem>>) target_semaphore(%run_scoped3A : memref<!tpu.dma_semaphore, #tpu.memory_space<semaphore_mem>>)
      %dma_wait3A_214 = arith.constant 0 : i32
      %dma_wait3A_215 = arith.constant 0 : i32
      %dma_wait3A_216 = tpu.memref_slice %arg9[%dma_wait3A_214, %dma_wait3A_215] : memref<120x72xf32, #tpu.memory_space<vmem>> -> memref<120x72xf32, #tpu.memory_space<vmem>>
      %dma_wait3A_217 = arith.constant 0 : i32
      %dma_wait3A_218 = tpu.memref_slice %arg14[%add3A_193, %dma_wait3A_217] : memref<10016x72xf32, #tpu.memory_space<vmem_shared>> -> memref<120x72xf32, #tpu.memory_space<vmem_shared>>
      %dma_wait3A_219 = arith.constant 0 : i32
      %dma_wait3A_220 = arith.constant 0 : i32
      %dma_wait3A_221 = tpu.memref_slice %arg9[%dma_wait3A_219, %dma_wait3A_220] : memref<120x72xf32, #tpu.memory_space<vmem>> -> memref<120x72xf32, #tpu.memory_space<vmem>>
      %dma_wait3A_222 = arith.constant 0 : i32
      %dma_wait3A_223 = tpu.memref_slice %arg14[%add3A_193, %dma_wait3A_222] : memref<10016x72xf32, #tpu.memory_space<vmem_shared>> -> memref<120x72xf32, #tpu.memory_space<vmem_shared>>
      tpu.wait_dma2 semaphore(%run_scoped3A : memref<!tpu.dma_semaphore, #tpu.memory_space<semaphore_mem>>) src(%dma_wait3A_223 : memref<120x72xf32, #tpu.memory_space<vmem_shared>>) dst(%dma_wait3A_221 : memref<120x72xf32, #tpu.memory_space<vmem>>)
      tpu.yield
    }) : () -> ()
    %add3A_194 = arith.constant 360 : i32
    %add3A_195 = arith.addi %mul3A_0, %add3A_194 : i32
    "tpu.region"() ({
      %run_scoped3A = tpu.sem_alloc : memref<!tpu.dma_semaphore, #tpu.memory_space<semaphore_mem>>
      %dma_start3A_204 = arith.constant 0 : i32
      %dma_start3A_205 = arith.constant 0 : i32
      %dma_start3A_206 = tpu.memref_slice %arg9[%dma_start3A_204, %dma_start3A_205] : memref<120x72xf32, #tpu.memory_space<vmem>> -> memref<120x72xf32, #tpu.memory_space<vmem>>
      %dma_start3A_207 = arith.constant 0 : i32
      %dma_start3A_208 = tpu.memref_slice %arg6[%arg0, %add3A_195, %dma_start3A_207] : memref<2x10000x72xf32, #tpu.memory_space<hbm>> -> memref<1x120x72xf32, #tpu.memory_space<hbm>>
      %dma_start3A_209 = tpu.memref_squeeze %dma_start3A_208 : memref<1x120x72xf32, #tpu.memory_space<hbm>> -> memref<120x72xf32, #tpu.memory_space<hbm>>
      %dma_start3A_210 = arith.constant 0 : i32
      %dma_start3A_211 = tpu.memref_slice %arg6[%arg0, %add3A_195, %dma_start3A_210] : memref<2x10000x72xf32, #tpu.memory_space<hbm>> -> memref<1x120x72xf32, #tpu.memory_space<hbm>>
      %dma_start3A_212 = tpu.memref_squeeze %dma_start3A_211 : memref<1x120x72xf32, #tpu.memory_space<hbm>> -> memref<120x72xf32, #tpu.memory_space<hbm>>
      %dma_start3A_213 = arith.constant 0 : i32
      %dma_start3A_214 = arith.constant 0 : i32
      %dma_start3A_215 = tpu.memref_slice %arg9[%dma_start3A_213, %dma_start3A_214] : memref<120x72xf32, #tpu.memory_space<vmem>> -> memref<120x72xf32, #tpu.memory_space<vmem>>
      tpu.enqueue_dma source(%dma_start3A_215 : memref<120x72xf32, #tpu.memory_space<vmem>>) target(%dma_start3A_212 : memref<120x72xf32, #tpu.memory_space<hbm>>) target_semaphore(%run_scoped3A : memref<!tpu.dma_semaphore, #tpu.memory_space<semaphore_mem>>)
      %dma_wait3A_216 = arith.constant 0 : i32
      %dma_wait3A_217 = arith.constant 0 : i32
      %dma_wait3A_218 = tpu.memref_slice %arg9[%dma_wait3A_216, %dma_wait3A_217] : memref<120x72xf32, #tpu.memory_space<vmem>> -> memref<120x72xf32, #tpu.memory_space<vmem>>
      %dma_wait3A_219 = arith.constant 0 : i32
      %dma_wait3A_220 = tpu.memref_slice %arg6[%arg0, %add3A_195, %dma_wait3A_219] : memref<2x10000x72xf32, #tpu.memory_space<hbm>> -> memref<1x120x72xf32, #tpu.memory_space<hbm>>
      %dma_wait3A_221 = tpu.memref_squeeze %dma_wait3A_220 : memref<1x120x72xf32, #tpu.memory_space<hbm>> -> memref<120x72xf32, #tpu.memory_space<hbm>>
      %dma_wait3A_222 = arith.constant 0 : i32
      %dma_wait3A_223 = tpu.memref_slice %arg6[%arg0, %add3A_195, %dma_wait3A_222] : memref<2x10000x72xf32, #tpu.memory_space<hbm>> -> memref<1x120x72xf32, #tpu.memory_space<hbm>>
      %dma_wait3A_224 = tpu.memref_squeeze %dma_wait3A_223 : memref<1x120x72xf32, #tpu.memory_space<hbm>> -> memref<120x72xf32, #tpu.memory_space<hbm>>
      %dma_wait3A_225 = arith.constant 0 : i32
      %dma_wait3A_226 = arith.constant 0 : i32
      %dma_wait3A_227 = tpu.memref_slice %arg9[%dma_wait3A_225, %dma_wait3A_226] : memref<120x72xf32, #tpu.memory_space<vmem>> -> memref<120x72xf32, #tpu.memory_space<vmem>>
      tpu.wait_dma2 semaphore(%run_scoped3A : memref<!tpu.dma_semaphore, #tpu.memory_space<semaphore_mem>>) src(%dma_wait3A_227 : memref<120x72xf32, #tpu.memory_space<vmem>>) dst(%dma_wait3A_224 : memref<120x72xf32, #tpu.memory_space<hbm>>)
      tpu.yield
    }) : () -> ()
    %add3A_196 = arith.constant 480 : i32
    %add3A_197 = arith.addi %mul3A_0, %add3A_196 : i32
    "tpu.region"() ({
      %run_scoped3A = tpu.sem_alloc : memref<!tpu.dma_semaphore, #tpu.memory_space<semaphore_mem>>
      %dma_start3A_204 = arith.constant 0 : i32
      %dma_start3A_205 = arith.constant 0 : i32
      %dma_start3A_206 = tpu.memref_slice %arg9[%dma_start3A_204, %dma_start3A_205] : memref<120x72xf32, #tpu.memory_space<vmem>> -> memref<120x72xf32, #tpu.memory_space<vmem>>
      %dma_start3A_207 = arith.constant 0 : i32
      %dma_start3A_208 = tpu.memref_slice %arg14[%add3A_197, %dma_start3A_207] : memref<10016x72xf32, #tpu.memory_space<vmem_shared>> -> memref<120x72xf32, #tpu.memory_space<vmem_shared>>
      %dma_start3A_209 = arith.constant 0 : i32
      %dma_start3A_210 = arith.constant 0 : i32
      %dma_start3A_211 = tpu.memref_slice %arg9[%dma_start3A_209, %dma_start3A_210] : memref<120x72xf32, #tpu.memory_space<vmem>> -> memref<120x72xf32, #tpu.memory_space<vmem>>
      %dma_start3A_212 = arith.constant 0 : i32
      %dma_start3A_213 = tpu.memref_slice %arg14[%add3A_197, %dma_start3A_212] : memref<10016x72xf32, #tpu.memory_space<vmem_shared>> -> memref<120x72xf32, #tpu.memory_space<vmem_shared>>
      tpu.enqueue_dma source(%dma_start3A_213 : memref<120x72xf32, #tpu.memory_space<vmem_shared>>) target(%dma_start3A_211 : memref<120x72xf32, #tpu.memory_space<vmem>>) target_semaphore(%run_scoped3A : memref<!tpu.dma_semaphore, #tpu.memory_space<semaphore_mem>>)
      %dma_wait3A_214 = arith.constant 0 : i32
      %dma_wait3A_215 = arith.constant 0 : i32
      %dma_wait3A_216 = tpu.memref_slice %arg9[%dma_wait3A_214, %dma_wait3A_215] : memref<120x72xf32, #tpu.memory_space<vmem>> -> memref<120x72xf32, #tpu.memory_space<vmem>>
      %dma_wait3A_217 = arith.constant 0 : i32
      %dma_wait3A_218 = tpu.memref_slice %arg14[%add3A_197, %dma_wait3A_217] : memref<10016x72xf32, #tpu.memory_space<vmem_shared>> -> memref<120x72xf32, #tpu.memory_space<vmem_shared>>
      %dma_wait3A_219 = arith.constant 0 : i32
      %dma_wait3A_220 = arith.constant 0 : i32
      %dma_wait3A_221 = tpu.memref_slice %arg9[%dma_wait3A_219, %dma_wait3A_220] : memref<120x72xf32, #tpu.memory_space<vmem>> -> memref<120x72xf32, #tpu.memory_space<vmem>>
      %dma_wait3A_222 = arith.constant 0 : i32
      %dma_wait3A_223 = tpu.memref_slice %arg14[%add3A_197, %dma_wait3A_222] : memref<10016x72xf32, #tpu.memory_space<vmem_shared>> -> memref<120x72xf32, #tpu.memory_space<vmem_shared>>
      tpu.wait_dma2 semaphore(%run_scoped3A : memref<!tpu.dma_semaphore, #tpu.memory_space<semaphore_mem>>) src(%dma_wait3A_223 : memref<120x72xf32, #tpu.memory_space<vmem_shared>>) dst(%dma_wait3A_221 : memref<120x72xf32, #tpu.memory_space<vmem>>)
      tpu.yield
    }) : () -> ()
    %add3A_198 = arith.constant 480 : i32
    %add3A_199 = arith.addi %mul3A_0, %add3A_198 : i32
    "tpu.region"() ({
      %run_scoped3A = tpu.sem_alloc : memref<!tpu.dma_semaphore, #tpu.memory_space<semaphore_mem>>
      %dma_start3A_204 = arith.constant 0 : i32
      %dma_start3A_205 = arith.constant 0 : i32
      %dma_start3A_206 = tpu.memref_slice %arg9[%dma_start3A_204, %dma_start3A_205] : memref<120x72xf32, #tpu.memory_space<vmem>> -> memref<120x72xf32, #tpu.memory_space<vmem>>
      %dma_start3A_207 = arith.constant 0 : i32
      %dma_start3A_208 = tpu.memref_slice %arg6[%arg0, %add3A_199, %dma_start3A_207] : memref<2x10000x72xf32, #tpu.memory_space<hbm>> -> memref<1x120x72xf32, #tpu.memory_space<hbm>>
      %dma_start3A_209 = tpu.memref_squeeze %dma_start3A_208 : memref<1x120x72xf32, #tpu.memory_space<hbm>> -> memref<120x72xf32, #tpu.memory_space<hbm>>
      %dma_start3A_210 = arith.constant 0 : i32
      %dma_start3A_211 = tpu.memref_slice %arg6[%arg0, %add3A_199, %dma_start3A_210] : memref<2x10000x72xf32, #tpu.memory_space<hbm>> -> memref<1x120x72xf32, #tpu.memory_space<hbm>>
      %dma_start3A_212 = tpu.memref_squeeze %dma_start3A_211 : memref<1x120x72xf32, #tpu.memory_space<hbm>> -> memref<120x72xf32, #tpu.memory_space<hbm>>
      %dma_start3A_213 = arith.constant 0 : i32
      %dma_start3A_214 = arith.constant 0 : i32
      %dma_start3A_215 = tpu.memref_slice %arg9[%dma_start3A_213, %dma_start3A_214] : memref<120x72xf32, #tpu.memory_space<vmem>> -> memref<120x72xf32, #tpu.memory_space<vmem>>
      tpu.enqueue_dma source(%dma_start3A_215 : memref<120x72xf32, #tpu.memory_space<vmem>>) target(%dma_start3A_212 : memref<120x72xf32, #tpu.memory_space<hbm>>) target_semaphore(%run_scoped3A : memref<!tpu.dma_semaphore, #tpu.memory_space<semaphore_mem>>)
      %dma_wait3A_216 = arith.constant 0 : i32
      %dma_wait3A_217 = arith.constant 0 : i32
      %dma_wait3A_218 = tpu.memref_slice %arg9[%dma_wait3A_216, %dma_wait3A_217] : memref<120x72xf32, #tpu.memory_space<vmem>> -> memref<120x72xf32, #tpu.memory_space<vmem>>
      %dma_wait3A_219 = arith.constant 0 : i32
      %dma_wait3A_220 = tpu.memref_slice %arg6[%arg0, %add3A_199, %dma_wait3A_219] : memref<2x10000x72xf32, #tpu.memory_space<hbm>> -> memref<1x120x72xf32, #tpu.memory_space<hbm>>
      %dma_wait3A_221 = tpu.memref_squeeze %dma_wait3A_220 : memref<1x120x72xf32, #tpu.memory_space<hbm>> -> memref<120x72xf32, #tpu.memory_space<hbm>>
      %dma_wait3A_222 = arith.constant 0 : i32
      %dma_wait3A_223 = tpu.memref_slice %arg6[%arg0, %add3A_199, %dma_wait3A_222] : memref<2x10000x72xf32, #tpu.memory_space<hbm>> -> memref<1x120x72xf32, #tpu.memory_space<hbm>>
      %dma_wait3A_224 = tpu.memref_squeeze %dma_wait3A_223 : memref<1x120x72xf32, #tpu.memory_space<hbm>> -> memref<120x72xf32, #tpu.memory_space<hbm>>
      %dma_wait3A_225 = arith.constant 0 : i32
      %dma_wait3A_226 = arith.constant 0 : i32
      %dma_wait3A_227 = tpu.memref_slice %arg9[%dma_wait3A_225, %dma_wait3A_226] : memref<120x72xf32, #tpu.memory_space<vmem>> -> memref<120x72xf32, #tpu.memory_space<vmem>>
      tpu.wait_dma2 semaphore(%run_scoped3A : memref<!tpu.dma_semaphore, #tpu.memory_space<semaphore_mem>>) src(%dma_wait3A_227 : memref<120x72xf32, #tpu.memory_space<vmem>>) dst(%dma_wait3A_224 : memref<120x72xf32, #tpu.memory_space<hbm>>)
      tpu.yield
    }) : () -> ()
    %add3A_200 = arith.constant 600 : i32
    %add3A_201 = arith.addi %mul3A_0, %add3A_200 : i32
    "tpu.region"() ({
      %run_scoped3A = tpu.sem_alloc : memref<!tpu.dma_semaphore, #tpu.memory_space<semaphore_mem>>
      %dma_start3A_204 = arith.constant 0 : i32
      %dma_start3A_205 = arith.constant 0 : i32
      %dma_start3A_206 = tpu.memref_slice %arg9[%dma_start3A_204, %dma_start3A_205] : memref<120x72xf32, #tpu.memory_space<vmem>> -> memref<25x72xf32, #tpu.memory_space<vmem>>
      %dma_start3A_207 = arith.constant 0 : i32
      %dma_start3A_208 = tpu.memref_slice %arg14[%add3A_201, %dma_start3A_207] : memref<10016x72xf32, #tpu.memory_space<vmem_shared>> -> memref<25x72xf32, #tpu.memory_space<vmem_shared>>
      %dma_start3A_209 = arith.constant 0 : i32
      %dma_start3A_210 = arith.constant 0 : i32
      %dma_start3A_211 = tpu.memref_slice %arg9[%dma_start3A_209, %dma_start3A_210] : memref<120x72xf32, #tpu.memory_space<vmem>> -> memref<25x72xf32, #tpu.memory_space<vmem>>
      %dma_start3A_212 = arith.constant 0 : i32
      %dma_start3A_213 = tpu.memref_slice %arg14[%add3A_201, %dma_start3A_212] : memref<10016x72xf32, #tpu.memory_space<vmem_shared>> -> memref<25x72xf32, #tpu.memory_space<vmem_shared>>
      tpu.enqueue_dma source(%dma_start3A_213 : memref<25x72xf32, #tpu.memory_space<vmem_shared>>) target(%dma_start3A_211 : memref<25x72xf32, #tpu.memory_space<vmem>>) target_semaphore(%run_scoped3A : memref<!tpu.dma_semaphore, #tpu.memory_space<semaphore_mem>>)
      %dma_wait3A_214 = arith.constant 0 : i32
      %dma_wait3A_215 = arith.constant 0 : i32
      %dma_wait3A_216 = tpu.memref_slice %arg9[%dma_wait3A_214, %dma_wait3A_215] : memref<120x72xf32, #tpu.memory_space<vmem>> -> memref<25x72xf32, #tpu.memory_space<vmem>>
      %dma_wait3A_217 = arith.constant 0 : i32
      %dma_wait3A_218 = tpu.memref_slice %arg14[%add3A_201, %dma_wait3A_217] : memref<10016x72xf32, #tpu.memory_space<vmem_shared>> -> memref<25x72xf32, #tpu.memory_space<vmem_shared>>
      %dma_wait3A_219 = arith.constant 0 : i32
      %dma_wait3A_220 = arith.constant 0 : i32
      %dma_wait3A_221 = tpu.memref_slice %arg9[%dma_wait3A_219, %dma_wait3A_220] : memref<120x72xf32, #tpu.memory_space<vmem>> -> memref<25x72xf32, #tpu.memory_space<vmem>>
      %dma_wait3A_222 = arith.constant 0 : i32
      %dma_wait3A_223 = tpu.memref_slice %arg14[%add3A_201, %dma_wait3A_222] : memref<10016x72xf32, #tpu.memory_space<vmem_shared>> -> memref<25x72xf32, #tpu.memory_space<vmem_shared>>
      tpu.wait_dma2 semaphore(%run_scoped3A : memref<!tpu.dma_semaphore, #tpu.memory_space<semaphore_mem>>) src(%dma_wait3A_223 : memref<25x72xf32, #tpu.memory_space<vmem_shared>>) dst(%dma_wait3A_221 : memref<25x72xf32, #tpu.memory_space<vmem>>)
      tpu.yield
    }) : () -> ()
    %add3A_202 = arith.constant 600 : i32
    %add3A_203 = arith.addi %mul3A_0, %add3A_202 : i32
    "tpu.region"() ({
      %run_scoped3A = tpu.sem_alloc : memref<!tpu.dma_semaphore, #tpu.memory_space<semaphore_mem>>
      %dma_start3A_204 = arith.constant 0 : i32
      %dma_start3A_205 = arith.constant 0 : i32
      %dma_start3A_206 = tpu.memref_slice %arg9[%dma_start3A_204, %dma_start3A_205] : memref<120x72xf32, #tpu.memory_space<vmem>> -> memref<25x72xf32, #tpu.memory_space<vmem>>
      %dma_start3A_207 = arith.constant 0 : i32
      %dma_start3A_208 = tpu.memref_slice %arg6[%arg0, %add3A_203, %dma_start3A_207] : memref<2x10000x72xf32, #tpu.memory_space<hbm>> -> memref<1x25x72xf32, #tpu.memory_space<hbm>>
      %dma_start3A_209 = tpu.memref_squeeze %dma_start3A_208 : memref<1x25x72xf32, #tpu.memory_space<hbm>> -> memref<25x72xf32, #tpu.memory_space<hbm>>
      %dma_start3A_210 = arith.constant 0 : i32
      %dma_start3A_211 = tpu.memref_slice %arg6[%arg0, %add3A_203, %dma_start3A_210] : memref<2x10000x72xf32, #tpu.memory_space<hbm>> -> memref<1x25x72xf32, #tpu.memory_space<hbm>>
      %dma_start3A_212 = tpu.memref_squeeze %dma_start3A_211 : memref<1x25x72xf32, #tpu.memory_space<hbm>> -> memref<25x72xf32, #tpu.memory_space<hbm>>
      %dma_start3A_213 = arith.constant 0 : i32
      %dma_start3A_214 = arith.constant 0 : i32
      %dma_start3A_215 = tpu.memref_slice %arg9[%dma_start3A_213, %dma_start3A_214] : memref<120x72xf32, #tpu.memory_space<vmem>> -> memref<25x72xf32, #tpu.memory_space<vmem>>
      tpu.enqueue_dma source(%dma_start3A_215 : memref<25x72xf32, #tpu.memory_space<vmem>>) target(%dma_start3A_212 : memref<25x72xf32, #tpu.memory_space<hbm>>) target_semaphore(%run_scoped3A : memref<!tpu.dma_semaphore, #tpu.memory_space<semaphore_mem>>)
      %dma_wait3A_216 = arith.constant 0 : i32
      %dma_wait3A_217 = arith.constant 0 : i32
      %dma_wait3A_218 = tpu.memref_slice %arg9[%dma_wait3A_216, %dma_wait3A_217] : memref<120x72xf32, #tpu.memory_space<vmem>> -> memref<25x72xf32, #tpu.memory_space<vmem>>
      %dma_wait3A_219 = arith.constant 0 : i32
      %dma_wait3A_220 = tpu.memref_slice %arg6[%arg0, %add3A_203, %dma_wait3A_219] : memref<2x10000x72xf32, #tpu.memory_space<hbm>> -> memref<1x25x72xf32, #tpu.memory_space<hbm>>
      %dma_wait3A_221 = tpu.memref_squeeze %dma_wait3A_220 : memref<1x25x72xf32, #tpu.memory_space<hbm>> -> memref<25x72xf32, #tpu.memory_space<hbm>>
      %dma_wait3A_222 = arith.constant 0 : i32
      %dma_wait3A_223 = tpu.memref_slice %arg6[%arg0, %add3A_203, %dma_wait3A_222] : memref<2x10000x72xf32, #tpu.memory_space<hbm>> -> memref<1x25x72xf32, #tpu.memory_space<hbm>>
      %dma_wait3A_224 = tpu.memref_squeeze %dma_wait3A_223 : memref<1x25x72xf32, #tpu.memory_space<hbm>> -> memref<25x72xf32, #tpu.memory_space<hbm>>
      %dma_wait3A_225 = arith.constant 0 : i32
      %dma_wait3A_226 = arith.constant 0 : i32
      %dma_wait3A_227 = tpu.memref_slice %arg9[%dma_wait3A_225, %dma_wait3A_226] : memref<120x72xf32, #tpu.memory_space<vmem>> -> memref<25x72xf32, #tpu.memory_space<vmem>>
      tpu.wait_dma2 semaphore(%run_scoped3A : memref<!tpu.dma_semaphore, #tpu.memory_space<semaphore_mem>>) src(%dma_wait3A_227 : memref<25x72xf32, #tpu.memory_space<vmem>>) dst(%dma_wait3A_224 : memref<25x72xf32, #tpu.memory_space<hbm>>)
      tpu.yield
    }) : () -> ()
    return
  }
}

</mosaic_0001>

<sc_bundles>
// kernel: _sc_segment_sum.3.cloned.1.call-start
scs
__scs_entry_jumppad:
0x0: {  	(pc) =	sbr.rel $0x88, $3  }
0x1: {  	(tag) =	ssettag $0x0;
	lr =	simm.s32 $0x1  }
0x2: {  	[smem:$0x3F9D] =	sst lr;
	_ =	strace $0xD0000000  }
0x3: {  	_ = 	snop  }
0x4: {  	_ = 	snop  }
0x5: {  	_ = 	snop  }
0x6: {  	_ = 	snop  }
0x7: {  	_ = 	snop  }
__scs_overlays_trampoline_lowered:
0x8: {  	[smem:$0x3FAC] =	sst s0  }
0x9: {  	[smem:$0x3FAD] =	sst s1  }
0xa: {  	[smem:$0x3FAE] =	sst s2  }
0xb: {  	[smem:$0x3FAF] =	sst s3  }
0xc: {  	[smem:$0x3FB0] =	sst s4  }
0xd: {  	[smem:$0x3FB1] =	sst s5  }
0xe: {  	[smem:$0x3FB2] =	sst s6  }
0xf: {  	[smem:$0x3FB3] =	sst s7  }
0x10: {  	[smem:$0x3FB4] =	sst s8  }
0x11: {  	[smem:$0x3FB5] =	sst s9;
	s0 =	simm.s32 @!p0 $0x0  }
0x12: {  	s1 =	sld [smem:$0x3F9B];
	s0 =	simm.s32 @p0 $0x1  }
0x13: {  	[smem:$0x3FB6] =	sst s0;
	s0 =	simm.s32 @!p1 $0x0  }
0x14: {  	s2 =	sld [smem:$0x3F9A];
	s0 =	simm.s32 @p1 $0x1  }
0x15: {  	[smem:$0x3FB7] =	sst s0;
	s0 =	simm.s32 @!p2 $0x0  }
0x16: {  	s3 =	sld [smem:$0x3FDB];
	s0 =	simm.s32 @p2 $0x1  }
0x17: {  	s4 =	simm.s32 $0x1BF5;
	[smem:$0x3FB9] =	sst s0  }
0x18: {  	s0 =	sld [smem:$0x3F9C];
	_ =	swait.ge [sflag:s4], $0x0  }
0x19: {  	s7 =	sld [smem:$0x3F9D]  }
0x1a: {  	s8 =	sadd.s32 $0xFFFFE003, lr  }
0x1b: {  	s9 =	sadd.s32 $0xFFFFFEF7, lr;
	s5 =	simm.s32 $0xFFFFFFFF;
	p2 =	slt.u32 s8, $0xFFFFF086  }
0x1c: {  	p1 =	slt.u32 s9, $0xF7A;
	s5 =	simm.s32 @!p2 $0x0  }
0x1d: {  	s5 =	simm.s32 @p1 $0x1;
	p0 =	seq.s32 s7, s2  }
0x1e: {  	s7 =	smul.u32 @!p0 $0xF7A, s2;
	p2 =	seq.s32 @!p0 s5, $0x0  }
0x1f: {  	s9 =	smul.u32 $0xF7A, s1;
	s8 =	simm.s32 @!p0 $0x1BF5;
	p2 =	por !p2, p0  }
0x20: {  	[sflag:s8] =	ssyncset.s32 @!p0 $0xFFFFF086;
	s6 =	sadd.s32 @!p0 s3, s7;
	s7 =	simm.s32 @!p0 $0x108  }
0x21: {  	s3 =	sadd.s32 s3, s9;
	s6 =	sadd.s32 @!p0 $0x88, s6;
	s7 =	simm.s32 @p2 $0x1082  }
0x22: {  	[simem:s7], [sflag:s8] =	dma.local @!p0 [hbm:s6], $0xF7A  }
0x23: {  	s9 =	sor.u32 $0xD0000000, s2;
	s6 =	simm.s32 $0x108;
	_ =	swait.ge @!p0 [sflag:s8], $0x0  }
0x24: {  	s3 =	sadd.s32 $0x88, s3;
	s6 =	simm.s32 @!p1 $0x1082;
	[sflag:s4] =	ssyncset.s32 $0xFFFFF086  }
0x25: {  	[simem:s6], [sflag:s4] =	dma.local [hbm:s3], $0xF7A  }
0x26: {  	[smem:$0x3F9D] =	sst s1;
	(tag) =	ssettag s2;
	_ =	strace s9  }
0x27: {  	s1 =	sld [smem:$0x3FAD]  }
0x28: {  	s2 =	sld [smem:$0x3FAE]  }
0x29: {  	s4 =	sld [smem:$0x3FB0]  }
0x2a: {  	p0 =	seq.s32 s5, $0x0;
	s5 =	sld [smem:$0x3FB1]  }
0x2b: {  	s6 =	sld [smem:$0x3FB2]  }
0x2c: {  	s7 =	sld [smem:$0x3FB3]  }
0x2d: {  	s3 =	simm.s32 $0x108;
	s8 =	sld [smem:$0x3FB4]  }
0x2e: {  	s3 =	simm.s32 @!p0 $0x1082;
	s9 =	sld [smem:$0x3FB5]  }
0x2f: {  	lr =	sadd.s32 s0, s3;
	s0 =	sld [smem:$0x3FAC]  }
0x30: {  	s3 =	sld [smem:$0x3FAF]  }
0x31: {  	[smem:$0x3FB8] =	sst s10  }
0x32: {  	s10 =	sld [smem:$0x3FB6];
	_ =	sdelay $0x3  }
0x33: {  	p0 =	seq.s32 s10, $0x1;
	s10 =	sld [smem:$0x3FB8];
	_ =	sdelay $0x3  }
0x34: {  	[smem:$0x3FB8] =	sst s10  }
0x35: {  	s10 =	sld [smem:$0x3FB7];
	_ =	sdelay $0x3  }
0x36: {  	p1 =	seq.s32 s10, $0x1;
	s10 =	sld [smem:$0x3FB8];
	_ =	sdelay $0x3  }
0x37: {  	[smem:$0x3FB8] =	sst s10  }
0x38: {  	s10 =	sld [smem:$0x3FB9]  }
0x39: {  	_ = 	snop;
	(pc) =	sbr.ind lr, $3  }
0x3a: {  	_ = 	snop  }
0x3b: {  	_ = 	snop  }
0x3c: {  	p2 =	seq.s32 s10, $0x1;
	s10 =	sld [smem:$0x3FB8]  }
0x3d: {  	_ =	shalt  }
0x3e: {  	_ =	shalt  }
0x3f: {  	_ =	shalt  }
0x40: {  	_ =	shalt  }
0x41: {  	_ =	shalt  }
0x42: {  	_ =	shalt  }
0x43: {  	_ =	shalt  }
0x44: {  	_ =	shalt  }
0x45: {  	_ =	shalt  }
0x46: {  	_ =	shalt  }
0x47: {  	_ =	shalt  }
0x48: {  	_ =	shalt  }
0x49: {  	_ =	shalt  }
0x4a: {  	_ =	shalt  }
0x4b: {  	_ =	shalt  }
0x4c: {  	_ =	shalt  }
0x4d: {  	_ =	shalt  }
0x4e: {  	_ =	shalt  }
0x4f: {  	_ =	shalt  }
0x50: {  	_ =	shalt  }
0x51: {  	_ =	shalt  }
0x52: {  	_ =	shalt  }
0x53: {  	_ =	shalt  }
0x54: {  	_ =	shalt  }
0x55: {  	_ =	shalt  }
0x56: {  	_ =	shalt  }
0x57: {  	_ =	shalt  }
0x58: {  	_ =	shalt  }
0x59: {  	_ =	shalt  }
0x5a: {  	_ =	shalt  }
0x5b: {  	_ =	shalt  }
0x5c: {  	_ =	shalt  }
0x5d: {  	_ =	shalt  }
0x5e: {  	_ =	shalt  }
0x5f: {  	_ =	shalt  }
0x60: {  	_ =	shalt  }
0x61: {  	_ =	shalt  }
0x62: {  	_ =	shalt  }
0x63: {  	_ =	shalt  }
0x64: {  	_ =	shalt  }
0x65: {  	_ =	shalt  }
0x66: {  	_ =	shalt  }
0x67: {  	_ =	shalt  }
0x68: {  	_ =	shalt  }
0x69: {  	_ =	shalt  }
0x6a: {  	_ =	shalt  }
0x6b: {  	_ =	shalt  }
0x6c: {  	_ =	shalt  }
0x6d: {  	_ =	shalt  }
0x6e: {  	_ =	shalt  }
0x6f: {  	_ =	shalt  }
0x70: {  	_ =	shalt  }
0x71: {  	_ =	shalt  }
0x72: {  	_ =	shalt  }
0x73: {  	_ =	shalt  }
0x74: {  	_ =	shalt  }
0x75: {  	_ =	shalt  }
0x76: {  	_ =	shalt  }
0x77: {  	_ =	shalt  }
0x78: {  	_ =	shalt  }
0x79: {  	_ =	shalt  }
0x7a: {  	_ =	shalt  }
0x7b: {  	_ =	shalt  }
0x7c: {  	_ =	shalt  }
0x7d: {  	_ =	shalt  }
0x7e: {  	_ =	shalt  }
0x7f: {  	_ =	shalt  }
0x80: {  	_ =	shalt  }
0x81: {  	_ =	shalt  }
0x82: {  	_ =	shalt  }
0x83: {  	_ =	shalt  }
0x84: {  	_ =	shalt  }
0x85: {  	_ =	shalt  }
0x86: {  	_ =	shalt  }
0x87: {  	_ =	shalt  }
.Lfunc_end0:
.L_simem_size_0:
called_computation_lowered:
.L_overlay_start_0:
0x88: {  	s2 =	sld [smem:$0x3FD9]  }
0x89: {  	s3 =	sld [smem:$0x3FFE];
	_ =	sdelay $0x1  }
0x8a: {  	s1 =	srdreg.scid  }
0x8b: {  	s0 =	sand.u32 $0x1, s1  }
0x8c: {  	s17 =	sshll.u32 s0, $0xA;
	s2 =	sadd.s32 s3, s2  }
0x8d: {  	s2 =	sadd.s32 s2, s17  }
0x8e: {  	[smem:$0x3FC4] =	sst s2  }
0x8f: {  	_ = 	snop  }
0x90: {  	s2 =	sld [smem:$0x3FD0];
	(tm) =	ssettm $0x1  }
0x91: {  	s18 =	sld [smem:$0x3FFB];
	_ =	sdelay $0x3  }
0x92: {  	_ =	strace s18  }
0x93: {  	s3 =	sld [smem:$0x3FFC];
	_ =	sdelay $0x3  }
0x94: {  	_ =	strace s3  }
0x95: {  	s3 =	sld [smem:$0x3FFD];
	_ =	sdelay $0x3  }
0x96: {  	_ =	strace s3  }
0x97: {  	_ =	strace $0x8FFFFFFF  }
0x98: {  	s19 =	sld [smem:$0x3FDB];
	_ =	sdelay $0x1  }
0x99: {  	s4 =	simm.s32 $_scs_section_size  }
0x9a: {  	s5 =	simm.s32 $_size__tile_overlayer_lowered;
	s6 =	simm.s32 $_tile_overlayer_lowered  }
0x9b: {  	s22 =	simm.s32 $0x1BFF;
	s21 =	sshll.u32 s6, $0x1;
	s3 =	sadd.s32 s4, s19  }
0x9c: {  	s7 =	simm.s32 $0x0;
	s20 =	sshll.u32 s5, $0x1;
	s5 =	sadd.s32 s21, s3  }
0x9d: {  	[timem:s7], [sflag:s22] =	dma.local [hbm:s5], s20  }
0x9e: {  	_ =	swait.ge [sflag:s22], s20  }
0x9f: {  	s4 =	ssub.s32 $0x0, s20;
	[sflag:s22] =	ssyncset.done $0x0  }
0xa0: {  	[sflag:s22] =	ssyncadd.s32 s4;
	_ =	sdelay $0x1  }
0xa1: {  	s23 =	simm.s32 $0x1B8B  }
0xa2: {  	_ =	swait.ge [sflag:s23], $0x1  }
0xa3: {  	[sflag:s23] =	ssyncset.done $0x0  }
0xa4: {  	s25 =	simm.s32 $0x1B8E;
	s24 =	sld [smem:$0x3FFE];
	[sflag:s23] =	ssyncadd.s32 $0xFFFFFFFF  }
0xa5: {  	s26 =	simm.s32 $execute0_lowered;
	[smem:$0x3FD2] =	sst s25  }
0xa6: {  	s5 =	sshll.u32 s26, $0x1;
	_ =	strace $0x80000046;
	[dreg:$0x1] =	wrdreg $0xFFFFFFFF  }
0xa7: {  	s28 =	simm.s32 $_size_execute0_lowered;
	s3 =	sadd.s32 s3, s5;
	[dreg:$0x0] =	wrdreg $0x0  }
0xa8: {  	s5 =	sshll.u32 s28, $0x1;
	[dreg:$0x2] =	wrdreg s3  }
0xa9: {  	[dreg:$0x3] =	wrdreg s5  }
0xaa: {  	[dreg:$0x4] =	wrdreg $0xC0  }
0xab: {  	_ =	task [dreg:s7], $0x5FFFF  }
0xac: {  	[dreg:$0x1] =	wrdreg $0xFFFFFFFF  }
0xad: {  	[dreg:$0x0] =	wrdreg $0x60  }
0xae: {  	[dreg:$0x2] =	wrdreg s2  }
0xaf: {  	[dreg:$0x3] =	wrdreg s24  }
0xb0: {  	[dreg:$0x4] =	wrdreg $0x12FC00  }
0xb1: {  	[dreg:$0x5] =	wrdreg $0x9  }
0xb2: {  	_ =	task.clear_ibuf [dreg:s7], $0x6FFFF;
	_ =	strace $0x90000046  }
0xb3: {  	s29 =	simm.s32 $0x9;
	_ =	strace $0x80000048  }
0xb4: {  	_ =	swait.ge [sflag:s29], $0x1  }
0xb5: {  	[sflag:s29] =	ssyncadd.s32 $0xFFFFFFFF  }
0xb6: {  	_ =	strace $0x90000048  }
0xb7: {  	_ =	sfence  }
0xb8: {  	s30 =	sld [smem:$0x0];
	_ =	sdelay $0x2  }
0xb9: {  	s31 =	sshll.u32 s1, $0xD;
	s1 =	sshrl.u32 s1, $0x2  }
0xba: {  	s3 =	sand.u32 $0x4000, s31;
	s1 =	sadd.s32 s1, s30  }
0xbb: {  	s0 =	sor.u32 s3, s0;
	s1 =	sshll.u32 s1, $0x11  }
0xbc: {  	s0 =	sor.u32 s1, s0  }
0xbd: {  	s0 =	sadd.s32 $0x8F2B, s0  }
0xbe: {  	[sflag:s0] =	ssyncadd.remote.s32 $0x1  }
0xbf: {  	_ =	sfence.sel $0xFFFF  }
0xc0: {  	[dreg:$0x0] =	wrdreg $0xFFFFFFFF;
	(pc) =	sbr.abs _section_cstart, $3  }
0xc1: {  	[dreg:$0x1] =	wrdreg $0xFFFFFFFF  }
0xc2: {  	_ =	task.clear_ibuf [dreg:s7], $0x2FFFF;
	_ =	strace $0x9FFFFFFF  }
0xc3: {  	(tm) =	ssettm $0x7FFFFFFF  }
tec
execute0_lowered:
.L_overlay_start_1:
0x0: {  	(tag) =	ssettag $0x1  }
0x1: {  	s0 =	rddreg [dreg:$0x0]  }
0x2: {  	s1 =	rddreg [dreg:$0x1]  }
0x3: {  	s2 =	rddreg [dreg:$0x2]  }
0x4: {  	s9 =	stileid.u32;
	s3 =	simm.s32 $0x0;
	s5 =	srdreg.scid  }
0x5: {  	s4 =	smul.u32 $0x9D8, s9;
	[smem:$0x7FF] =	sst s3  }
0x6: {  	s5 =	sand.u32 $0x1, s5;
	s7 =	sadd.s32 $0x14600, s1;
	s8 =	smul.u32 $0x2BF20, s9  }
0x7: {  	s9 =	smul.u32 $0xAFC8, s9;
	_ =	strace $0x80000047;
	s6 =	ssub.s32 $0x2, s5  }
0x8: {  	[dreg:$0x4] =	wrdreg s7;
	s5 =	smul.u32 $0xAFC80, s5;
	s4 =	sadd.s32 s4, s1  }
0x9: {  	s22 =	sshrl.u32 s6, $0x1;
	s1 =	sadd.s32 $0x14800, s1;
	s25 =	sshrl.u32 s8, $0x2  }
0xa: {  	s8 =	sadd.s32 s9, s2;
	s26 =	sadd.s32 $0x21C0, s9;
	s16 =	sadd.s32 $0x4380, s9  }
0xb: {  	s12 =	sadd.s32 $0x6540, s9;
	s13 =	sadd.s32 $0x8700, s9;
	s6 =	ssub.s32 s6, s22  }
0xc: {  	s23 =	sadd.s32 $0xA800, s4;
	s24 =	sshrl.u32 s5, $0x3;
	s4 =	sadd.s32 $0xA00, s4  }
0xd: {  	s11 =	sadd.s32 s26, s2;
	s19 =	sadd.s32 s5, s12;
	[dreg:$0x5] =	wrdreg s23  }
0xe: {  	s20 =	sadd.s32 s5, s13;
	[dreg:$0x6] =	wrdreg s4;
	s7 =	sadd.s32 s0, s24  }
0xf: {  	s0 =	sadd.s32 s25, s2;
	s4 =	sadd.s32 s5, s26;
	s21 =	sshrl.u32 s20, $0x3  }
0x10: {  	s20 =	sadd.s32 s16, s2;
	s31 =	smax.u32 s6, $0x1;
	s6 =	simm.s32 $0xBF40  }
0x11: {  	s10 =	sadd.s32 $0xB40, s0;
	s14 =	sadd.s32 $0x1680, s0;
	s15 =	sadd.s32 $0x2D00, s0  }
0x12: {  	s4 =	sshrl.u32 s4, $0x3;
	s22 =	sadd.s32 $0x3840, s0;
	[dreg:$0x7] =	wrdreg s10  }
0x13: {  	s23 =	sadd.s32 $0x4EC0, s0;
	s24 =	sadd.s32 $0x5A00, s0;
	[dreg:$0x8] =	wrdreg s14  }
0x14: {  	s25 =	sadd.s32 $0x7080, s0;
	s26 =	sadd.s32 $0x7BC0, s0;
	[dreg:$0x9] =	wrdreg s15  }
0x15: {  	s28 =	sadd.s32 $0x9240, s0;
	s29 =	sadd.s32 $0x9D80, s0;
	[dreg:$0x10] =	wrdreg s22  }
0x16: {  	s0 =	simm.s32 $0x9;
	s14 =	sadd.s32 $0xA8C0, s9;
	[dreg:$0x11] =	wrdreg s23  }
0x17: {  	s9 =	sadd.s32 s9, s5;
	s15 =	sadd.s32 s5, s16;
	[dreg:$0x12] =	wrdreg s24  }
0x18: {  	s4 =	sadd.s32 s1, s4;
	s22 =	sadd.s32 s13, s2;
	[dreg:$0x13] =	wrdreg s25  }
0x19: {  	[dreg:$0x14] =	wrdreg s26;
	s10 =	simm.s32 $0x102C0;
	s13 =	simm.s32 $0x1  }
0x1a: {  	s16 =	simm.s32 $0x4;
	s23 =	simm.s32 $0x8;
	s24 =	simm.s32 $0x0  }
0x1b: {  	s9 =	sshrl.u32 s9, $0x3;
	s17 =	sshrl.u32 s15, $0x3;
	[dreg:$0xb] =	wrdreg s4  }
0x1c: {  	s4 =	sshrl.u32 s19, $0x3;
	s5 =	sadd.s32 s5, s14;
	s30 =	sadd.s32 s14, s2  }
0x1d: {  	s14 =	simm.s32 $0x2;
	s15 =	simm.s32 $0x3;
	s9 =	sadd.s32 s1, s9  }
0x1e: {  	s19 =	simm.s32 $0x7;
	s18 =	sadd.s32 s1, s17;
	[dreg:$0xa] =	wrdreg s9  }
0x1f: {  	s4 =	sadd.s32 s1, s4;
	s5 =	sshrl.u32 s5, $0x3;
	[dreg:$0xc] =	wrdreg s18  }
0x20: {  	s17 =	simm.s32 $0x5;
	[dreg:$0xd] =	wrdreg s4;
	s4 =	sadd.s32 s1, s21  }
0x21: {  	s1 =	sadd.s32 s1, s5;
	s21 =	sadd.s32 s12, s2;
	s5 =	simm.s32 $0x9D80  }
0x22: {  	s9 =	simm.s32 $0xE100;
	s12 =	simm.s32 $0x12480;
	[dreg:$0xe] =	wrdreg s4  }
0x23: {  	s18 =	simm.s32 $0x6;
	[dreg:$0xf] =	wrdreg s1;
	s4 =	simm.s32 $0x78  }
.LBB2_1:
0x24: {  	s1 =	rddreg [dreg:$0x5]  }
0x25: {  	[tilespmem:s3], [sflag:$0x9] =	stream.linear.gather [hbm4b:s1+s3], $0x4EC0, $0x38;
	[tilespmem:$0x1DFD0] =	vst v63  }
0x26: {  	_ =	swait.ge [sflag:s0], $0x4EC0  }
0x27: {  	[sflag:s0] =	ssyncset.done $0x0  }
0x28: {  	s25 =	simm.s32 $0x4EC0;
	s26 =	rddreg [dreg:$0x6];
	[sflag:s0] =	ssyncadd.s32 $0xFFFFB140  }
0x29: {  	[tilespmem:s25], [sflag:$0x9] =	stream.linear.gather [hbm4b:s26+s3], $0x4EC0, $0x38;
	[tilespmem:$0x1DFD0] =	vst v63  }
0x2a: {  	_ =	swait.ge [sflag:s0], $0x4EC0  }
0x2b: {  	[sflag:s0] =	ssyncset.done $0x0  }
0x2c: {  	[sflag:s0] =	ssyncadd.s32 $0xFFFFB140  }
0x2d: {  	[tilespmem:s5], [sflag:$0x1] =	stream.indirect.gather [hbm4b:s7+s4], $0x48, s3, s4, $0xb8;
	[tilespmem:$0x1DFD0] =	vst v63  }
0x2e: {  	_ = 	snop  }
0x2f: {  	[tilespmem:s6], [sflag:$0x2] =	stream.indirect.gather [hbm4b:s7+s4], $0x48, s4, s4, $0xb8;
	[tilespmem:$0x1DFD0] =	vst v63  }
0x30: {  	s26 =	simm.s32 $0xF0  }
0x31: {  	[tilespmem:s9], [sflag:$0x3] =	stream.indirect.gather [hbm4b:s7+s4], $0x48, s26, s4, $0xb8;
	[tilespmem:$0x1DFD0] =	vst v63  }
0x32: {  	s26 =	simm.s32 $0x168  }
0x33: {  	[tilespmem:s10], [sflag:$0x4] =	stream.indirect.gather [hbm4b:s7+s4], $0x48, s26, s4, $0xb8;
	[tilespmem:$0x1DFD0] =	vst v63  }
0x34: {  	s26 =	rddreg [dreg:$0x4]  }
0x35: {  	[tilespmem:s12], [sflag:$0x9] =	stream.linear.gather [hbm4b:s26+s3], $0xB40, $0x38;
	[tilespmem:$0x1DFD0] =	vst v63  }
0x36: {  	_ =	swait.ge [sflag:s0], $0xB40  }
0x37: {  	[sflag:s0] =	ssyncset.done $0x0  }
0x38: {  	[sflag:s0] =	ssyncadd.s32 $0xFFFFF4C0  }
0x39: {  	[spmem:s8] =	stream.linear.scatter [tilespmem:s12], [sflag:$0x9], $0xB40, $0x38;
	[tilespmem:$0x1DFD0] =	vst v63  }
0x3a: {  	_ =	swait.ge [sflag:s0], $0xB40  }
0x3b: {  	[sflag:s0] =	ssyncset.done $0x0  }
0x3c: {  	s26 =	rddreg [dreg:$0x7];
	[sflag:s0] =	ssyncadd.s32 $0xFFFFF4C0  }
0x3d: {  	[spmem:s26] =	stream.linear.scatter [tilespmem:s12], [sflag:$0x9], $0xB40, $0x38;
	[tilespmem:$0x1DFD0] =	vst v63  }
0x3e: {  	_ =	swait.ge [sflag:s0], $0xB40  }
0x3f: {  	[sflag:s0] =	ssyncset.done $0x0  }
0x40: {  	s26 =	rddreg [dreg:$0x8];
	[sflag:s0] =	ssyncadd.s32 $0xFFFFF4C0  }
0x41: {  	[spmem:s26] =	stream.linear.scatter [tilespmem:s12], [sflag:$0x9], $0xB40, $0x38;
	[tilespmem:$0x1DFD0] =	vst v63  }
0x42: {  	_ =	swait.ge [sflag:s0], $0xB40  }
0x43: {  	[sflag:s0] =	ssyncset.done $0x0  }
0x44: {  	[sflag:s0] =	ssyncadd.s32 $0xFFFFF4C0  }
0x45: {  	[spmem:s11] =	stream.linear.scatter [tilespmem:s12], [sflag:$0x9], $0xB40, $0x38;
	[tilespmem:$0x1DFD0] =	vst v63  }
0x46: {  	_ =	swait.ge [sflag:s0], $0xB40  }
0x47: {  	[sflag:s0] =	ssyncset.done $0x0  }
0x48: {  	s26 =	rddreg [dreg:$0x9];
	[sflag:s0] =	ssyncadd.s32 $0xFFFFF4C0  }
0x49: {  	[spmem:s26] =	stream.linear.scatter [tilespmem:s12], [sflag:$0x9], $0xB40, $0x38;
	[tilespmem:$0x1DFD0] =	vst v63  }
0x4a: {  	_ =	swait.ge [sflag:s0], $0xB40  }
0x4b: {  	[sflag:s0] =	ssyncset.done $0x0  }
0x4c: {  	s26 =	rddreg [dreg:$0x10];
	[sflag:s0] =	ssyncadd.s32 $0xFFFFF4C0  }
0x4d: {  	[spmem:s26] =	stream.linear.scatter [tilespmem:s12], [sflag:$0x9], $0xB40, $0x38;
	[tilespmem:$0x1DFD0] =	vst v63  }
0x4e: {  	_ =	swait.ge [sflag:s0], $0xB40  }
0x4f: {  	[sflag:s0] =	ssyncset.done $0x0  }
0x50: {  	[sflag:s0] =	ssyncadd.s32 $0xFFFFF4C0  }
0x51: {  	[spmem:s20] =	stream.linear.scatter [tilespmem:s12], [sflag:$0x9], $0xB40, $0x38;
	[tilespmem:$0x1DFD0] =	vst v63  }
0x52: {  	_ =	swait.ge [sflag:s0], $0xB40  }
0x53: {  	[sflag:s0] =	ssyncset.done $0x0  }
0x54: {  	s26 =	rddreg [dreg:$0x11];
	[sflag:s0] =	ssyncadd.s32 $0xFFFFF4C0  }
0x55: {  	[spmem:s26] =	stream.linear.scatter [tilespmem:s12], [sflag:$0x9], $0xB40, $0x38;
	[tilespmem:$0x1DFD0] =	vst v63  }
0x56: {  	_ =	swait.ge [sflag:s0], $0xB40  }
0x57: {  	[sflag:s0] =	ssyncset.done $0x0  }
0x58: {  	s26 =	rddreg [dreg:$0x12];
	[sflag:s0] =	ssyncadd.s32 $0xFFFFF4C0  }
0x59: {  	[spmem:s26] =	stream.linear.scatter [tilespmem:s12], [sflag:$0x9], $0xB40, $0x38;
	[tilespmem:$0x1DFD0] =	vst v63  }
0x5a: {  	_ =	swait.ge [sflag:s0], $0xB40  }
0x5b: {  	[sflag:s0] =	ssyncset.done $0x0  }
0x5c: {  	[sflag:s0] =	ssyncadd.s32 $0xFFFFF4C0  }
0x5d: {  	[spmem:s21] =	stream.linear.scatter [tilespmem:s12], [sflag:$0x9], $0xB40, $0x38;
	[tilespmem:$0x1DFD0] =	vst v63  }
0x5e: {  	_ =	swait.ge [sflag:s0], $0xB40  }
0x5f: {  	[sflag:s0] =	ssyncset.done $0x0  }
0x60: {  	s26 =	rddreg [dreg:$0x13];
	[sflag:s0] =	ssyncadd.s32 $0xFFFFF4C0  }
0x61: {  	[spmem:s26] =	stream.linear.scatter [tilespmem:s12], [sflag:$0x9], $0xB40, $0x38;
	[tilespmem:$0x1DFD0] =	vst v63  }
0x62: {  	_ =	swait.ge [sflag:s0], $0xB40  }
0x63: {  	[sflag:s0] =	ssyncset.done $0x0  }
0x64: {  	s26 =	rddreg [dreg:$0x14];
	[sflag:s0] =	ssyncadd.s32 $0xFFFFF4C0  }
0x65: {  	[spmem:s26] =	stream.linear.scatter [tilespmem:s12], [sflag:$0x9], $0xB40, $0x38;
	[tilespmem:$0x1DFD0] =	vst v63  }
0x66: {  	_ =	swait.ge [sflag:s0], $0xB40  }
0x67: {  	[sflag:s0] =	ssyncset.done $0x0  }
0x68: {  	[sflag:s0] =	ssyncadd.s32 $0xFFFFF4C0  }
0x69: {  	[spmem:s22] =	stream.linear.scatter [tilespmem:s12], [sflag:$0x9], $0xB40, $0x38;
	[tilespmem:$0x1DFD0] =	vst v63  }
0x6a: {  	_ =	swait.ge [sflag:s0], $0xB40  }
0x6b: {  	[sflag:s0] =	ssyncset.done $0x0  }
0x6c: {  	[sflag:s0] =	ssyncadd.s32 $0xFFFFF4C0  }
0x6d: {  	[spmem:s28] =	stream.linear.scatter [tilespmem:s12], [sflag:$0x9], $0xB40, $0x38;
	[tilespmem:$0x1DFD0] =	vst v63  }
0x6e: {  	_ =	swait.ge [sflag:s0], $0xB40  }
0x6f: {  	[sflag:s0] =	ssyncset.done $0x0  }
0x70: {  	[sflag:s0] =	ssyncadd.s32 $0xFFFFF4C0  }
0x71: {  	[spmem:s29] =	stream.linear.scatter [tilespmem:s12], [sflag:$0x9], $0xB40, $0x38;
	[tilespmem:$0x1DFD0] =	vst v63  }
0x72: {  	_ =	swait.ge [sflag:s0], $0xB40  }
0x73: {  	[sflag:s0] =	ssyncset.done $0x0  }
0x74: {  	[sflag:s0] =	ssyncadd.s32 $0xFFFFF4C0  }
0x75: {  	[spmem:s30] =	stream.linear.scatter [tilespmem:s12], [sflag:$0x9], $0x708, $0x38;
	[tilespmem:$0x1DFD0] =	vst v63  }
0x76: {  	_ =	swait.ge [sflag:s0], $0x708  }
0x77: {  	[sflag:s0] =	ssyncset.done $0x0  }
0x78: {  	[sflag:s0] =	ssyncadd.s32 $0xFFFFF8F8  }
0x79: {  	[bflag:$0x0] =	sbarrier.arrive $0xFFFF  }
0x7a: {  	_ =	swait.ge [sflag:s13], $0x21C0  }
0x7b: {  	[sflag:s13] =	ssyncset.done $0x0  }
0x7c: {  	[sflag:s13] =	ssyncadd.s32 $0xFFFFDE40  }
0x7d: {  	[spmem:s2] =	stream.indirect.scatter.add.f32 [tilespmem:s5], [sflag:$0x5], $0x48, s25, s4, $0xb8;
	[tilespmem:$0x1DFD0] =	vst v63  }
0x7e: {  	_ =	swait.ge [sflag:s14], $0x21C0  }
0x7f: {  	[sflag:s14] =	ssyncset.done $0x0  }
0x80: {  	s25 =	simm.s32 $0x4F38;
	[sflag:s14] =	ssyncadd.s32 $0xFFFFDE40  }
0x81: {  	[spmem:s2] =	stream.indirect.scatter.add.f32 [tilespmem:s6], [sflag:$0x6], $0x48, s25, s4, $0xb8;
	[tilespmem:$0x1DFD0] =	vst v63  }
0x82: {  	_ =	swait.ge [sflag:s15], $0x21C0  }
0x83: {  	[sflag:s15] =	ssyncset.done $0x0  }
0x84: {  	s26 =	simm.s32 $0x4FB0;
	[sflag:s15] =	ssyncadd.s32 $0xFFFFDE40  }
0x85: {  	[spmem:s2] =	stream.indirect.scatter.add.f32 [tilespmem:s9], [sflag:$0x7], $0x48, s26, s4, $0xb8;
	[tilespmem:$0x1DFD0] =	vst v63  }
0x86: {  	_ =	swait.ge [sflag:s16], $0x21C0  }
0x87: {  	[sflag:s16] =	ssyncset.done $0x0  }
0x88: {  	s25 =	simm.s32 $0x5028;
	[sflag:s16] =	ssyncadd.s32 $0xFFFFDE40  }
0x89: {  	[spmem:s2] =	stream.indirect.scatter.add.f32 [tilespmem:s10], [sflag:$0x8], $0x48, s25, s4, $0xb8;
	[tilespmem:$0x1DFD0] =	vst v63  }
0x8a: {  	_ =	swait.ge [sflag:s17], $0x21C0  }
0x8b: {  	[sflag:s17] =	ssyncset.done $0x0  }
0x8c: {  	s26 =	simm.s32 $0x1E0;
	[sflag:s17] =	ssyncadd.s32 $0xFFFFDE40  }
0x8d: {  	[tilespmem:s5], [sflag:$0x1] =	stream.indirect.gather [hbm4b:s7+s4], $0x48, s26, s4, $0xb8;
	[tilespmem:$0x1DFD0] =	vst v63  }
0x8e: {  	_ =	swait.ge [sflag:s18], $0x21C0  }
0x8f: {  	[sflag:s18] =	ssyncset.done $0x0  }
0x90: {  	s1 =	simm.s32 $0x258;
	[sflag:s18] =	ssyncadd.s32 $0xFFFFDE40  }
0x91: {  	[tilespmem:s6], [sflag:$0x2] =	stream.indirect.gather [hbm4b:s7+s4], $0x48, s1, s4, $0xb8;
	[tilespmem:$0x1DFD0] =	vst v63  }
0x92: {  	_ =	swait.ge [sflag:s19], $0x21C0  }
0x93: {  	[sflag:s19] =	ssyncset.done $0x0  }
0x94: {  	s26 =	simm.s32 $0x2D0;
	[sflag:s19] =	ssyncadd.s32 $0xFFFFDE40  }
0x95: {  	[tilespmem:s9], [sflag:$0x3] =	stream.indirect.gather [hbm4b:s7+s4], $0x48, s26, s4, $0xb8;
	[tilespmem:$0x1DFD0] =	vst v63  }
0x96: {  	_ =	swait.ge [sflag:s23], $0x21C0  }
0x97: {  	[sflag:s23] =	ssyncset.done $0x0  }
0x98: {  	s1 =	simm.s32 $0x348;
	[sflag:s23] =	ssyncadd.s32 $0xFFFFDE40  }
0x99: {  	[tilespmem:s10], [sflag:$0x4] =	stream.indirect.gather [hbm4b:s7+s4], $0x48, s1, s4, $0xb8;
	[tilespmem:$0x1DFD0] =	vst v63  }
0x9a: {  	_ =	swait.ge [sflag:s13], $0x21C0  }
0x9b: {  	[sflag:s13] =	ssyncset.done $0x0  }
0x9c: {  	s26 =	simm.s32 $0x50A0;
	[sflag:s13] =	ssyncadd.s32 $0xFFFFDE40  }
0x9d: {  	[spmem:s2] =	stream.indirect.scatter.add.f32 [tilespmem:s5], [sflag:$0x5], $0x48, s26, s4, $0xb8;
	[tilespmem:$0x1DFD0] =	vst v63  }
0x9e: {  	_ =	swait.ge [sflag:s14], $0x21C0  }
0x9f: {  	[sflag:s14] =	ssyncset.done $0x0  }
0xa0: {  	s1 =	simm.s32 $0x5118;
	[sflag:s14] =	ssyncadd.s32 $0xFFFFDE40  }
0xa1: {  	[spmem:s2] =	stream.indirect.scatter.add.f32 [tilespmem:s6], [sflag:$0x6], $0x48, s1, s4, $0xb8;
	[tilespmem:$0x1DFD0] =	vst v63  }
0xa2: {  	_ =	swait.ge [sflag:s15], $0x21C0  }
0xa3: {  	[sflag:s15] =	ssyncset.done $0x0  }
0xa4: {  	s26 =	simm.s32 $0x5190;
	[sflag:s15] =	ssyncadd.s32 $0xFFFFDE40  }
0xa5: {  	[spmem:s2] =	stream.indirect.scatter.add.f32 [tilespmem:s9], [sflag:$0x7], $0x48, s26, s4, $0xb8;
	[tilespmem:$0x1DFD0] =	vst v63  }
0xa6: {  	_ =	swait.ge [sflag:s16], $0x21C0  }
0xa7: {  	[sflag:s16] =	ssyncset.done $0x0  }
0xa8: {  	s25 =	simm.s32 $0x780;
	s26 =	simm.s32 $0x5208;
	[sflag:s16] =	ssyncadd.s32 $0xFFFFDE40  }
.LBB2_2:
0xa9: {  	[spmem:s2] =	stream.indirect.scatter.add.f32 [tilespmem:s10], [sflag:$0x8], $0x48, s26, s4, $0xb8;
	[tilespmem:$0x1DFD0] =	vst v63  }
0xaa: {  	s26 =	smov.u32 s25  }
0xab: {  	p0 =	sne.s32 s25, $0x12C00;
	s25 =	sadd.s32 $0x780, s25;
	_ =	swait.ge [sflag:s17], $0x21C0  }
0xac: {  	s26 =	sshra.s32 s26, $0x2;
	[sflag:s17] =	ssyncset.done $0x0  }
0xad: {  	s1 =	sadd.s32 $0x1E0, s26;
	[sflag:s17] =	ssyncadd.s32 $0xFFFFDE40  }
0xae: {  	[tilespmem:s5], [sflag:$0x1] =	stream.indirect.gather [hbm4b:s7+s4], $0x48, s1, s4, $0xb8;
	[tilespmem:$0x1DFD0] =	vst v63  }
0xaf: {  	_ =	swait.ge [sflag:s18], $0x21C0  }
0xb0: {  	[sflag:s18] =	ssyncset.done $0x0  }
0xb1: {  	s1 =	sadd.s32 $0x258, s26;
	[sflag:s18] =	ssyncadd.s32 $0xFFFFDE40  }
0xb2: {  	[tilespmem:s6], [sflag:$0x2] =	stream.indirect.gather [hbm4b:s7+s4], $0x48, s1, s4, $0xb8;
	[tilespmem:$0x1DFD0] =	vst v63  }
0xb3: {  	_ =	swait.ge [sflag:s19], $0x21C0  }
0xb4: {  	[sflag:s19] =	ssyncset.done $0x0  }
0xb5: {  	s1 =	sadd.s32 $0x2D0, s26;
	[sflag:s19] =	ssyncadd.s32 $0xFFFFDE40  }
0xb6: {  	[tilespmem:s9], [sflag:$0x3] =	stream.indirect.gather [hbm4b:s7+s4], $0x48, s1, s4, $0xb8;
	[tilespmem:$0x1DFD0] =	vst v63  }
0xb7: {  	_ =	swait.ge [sflag:s23], $0x21C0  }
0xb8: {  	[sflag:s23] =	ssyncset.done $0x0  }
0xb9: {  	s1 =	sadd.s32 $0x348, s26;
	[sflag:s23] =	ssyncadd.s32 $0xFFFFDE40  }
0xba: {  	[tilespmem:s10], [sflag:$0x4] =	stream.indirect.gather [hbm4b:s7+s4], $0x48, s1, s4, $0xb8;
	[tilespmem:$0x1DFD0] =	vst v63  }
0xbb: {  	_ =	swait.ge [sflag:s13], $0x21C0  }
0xbc: {  	[sflag:s13] =	ssyncset.done $0x0  }
0xbd: {  	s1 =	sadd.s32 $0x50A0, s26;
	[sflag:s13] =	ssyncadd.s32 $0xFFFFDE40  }
0xbe: {  	[spmem:s2] =	stream.indirect.scatter.add.f32 [tilespmem:s5], [sflag:$0x5], $0x48, s1, s4, $0xb8;
	[tilespmem:$0x1DFD0] =	vst v63  }
0xbf: {  	_ =	swait.ge [sflag:s14], $0x21C0  }
0xc0: {  	[sflag:s14] =	ssyncset.done $0x0  }
0xc1: {  	s1 =	sadd.s32 $0x5118, s26;
	[sflag:s14] =	ssyncadd.s32 $0xFFFFDE40  }
0xc2: {  	[spmem:s2] =	stream.indirect.scatter.add.f32 [tilespmem:s6], [sflag:$0x6], $0x48, s1, s4, $0xb8;
	[tilespmem:$0x1DFD0] =	vst v63  }
0xc3: {  	_ =	swait.ge [sflag:s15], $0x21C0  }
0xc4: {  	[sflag:s15] =	ssyncset.done $0x0  }
.Ltmp0:
0xc5: {  	s1 =	sadd.s32 $0x5190, s26;
	[sflag:s15] =	ssyncadd.s32 $0xFFFFDE40;
	(pc) =	sbr.rel @p0 .LBB2_2-.Ltmp0, $4  }
0xc6: {  	[spmem:s2] =	stream.indirect.scatter.add.f32 [tilespmem:s9], [sflag:$0x7], $0x48, s1, s4, $0xb8;
	[tilespmem:$0x1DFD0] =	vst v63  }
0xc7: {  	_ =	swait.ge [sflag:s16], $0x21C0  }
0xc8: {  	[sflag:s16] =	ssyncset.done $0x0  }
0xc9: {  	s26 =	sadd.s32 $0x5208, s26;
	[sflag:s16] =	ssyncadd.s32 $0xFFFFDE40  }
0xca: {  	[spmem:s2] =	stream.indirect.scatter.add.f32 [tilespmem:s10], [sflag:$0x8], $0x48, s26, s4, $0xb8;
	[tilespmem:$0x1DFD0] =	vst v63  }
0xcb: {  	_ =	swait.ge [sflag:s17], $0x21C0  }
0xcc: {  	[sflag:s17] =	ssyncset.done $0x0  }
0xcd: {  	[sflag:s17] =	ssyncadd.s32 $0xFFFFDE40  }
0xce: {  	_ =	swait.ge [sflag:s18], $0x21C0  }
0xcf: {  	[sflag:s18] =	ssyncset.done $0x0  }
0xd0: {  	[sflag:s18] =	ssyncadd.s32 $0xFFFFDE40  }
0xd1: {  	_ =	swait.ge [sflag:s19], $0x21C0  }
0xd2: {  	[sflag:s19] =	ssyncset.done $0x0  }
0xd3: {  	[sflag:s19] =	ssyncadd.s32 $0xFFFFDE40  }
0xd4: {  	_ =	swait.ge [sflag:s23], $0x21C0  }
0xd5: {  	[sflag:s23] =	ssyncset.done $0x0  }
0xd6: {  	[sflag:s23] =	ssyncadd.s32 $0xFFFFDE40  }
0xd7: {  	[bflag:$0x0] =	sbarrier.arrive $0xFFFF  }
0xd8: {  	[tilespmem:s5], [sflag:$0x9] =	stream.linear.gather [spmem:s8], $0x21C0, $0x38;
	[tilespmem:$0x1DFD0] =	vst v63  }
0xd9: {  	_ =	swait.ge [sflag:s0], $0x21C0  }
0xda: {  	[sflag:s0] =	ssyncset.done $0x0  }
0xdb: {  	s1 =	rddreg [dreg:$0xa];
	[sflag:s0] =	ssyncadd.s32 $0xFFFFDE40  }
0xdc: {  	[hbm4b:s1+s3] =	stream.linear.scatter [tilespmem:s5], [sflag:$0x9], $0x21C0, $0x38;
	[tilespmem:$0x1DFD0] =	vst v63  }
0xdd: {  	_ =	swait.ge [sflag:s0], $0x21C0  }
0xde: {  	[sflag:s0] =	ssyncset.done $0x0  }
0xdf: {  	[sflag:s0] =	ssyncadd.s32 $0xFFFFDE40  }
0xe0: {  	[tilespmem:s5], [sflag:$0x9] =	stream.linear.gather [spmem:s11], $0x21C0, $0x38;
	[tilespmem:$0x1DFD0] =	vst v63  }
0xe1: {  	_ =	swait.ge [sflag:s0], $0x21C0  }
0xe2: {  	[sflag:s0] =	ssyncset.done $0x0  }
0xe3: {  	s26 =	rddreg [dreg:$0xb];
	[sflag:s0] =	ssyncadd.s32 $0xFFFFDE40  }
0xe4: {  	[hbm4b:s26+s3] =	stream.linear.scatter [tilespmem:s5], [sflag:$0x9], $0x21C0, $0x38;
	[tilespmem:$0x1DFD0] =	vst v63  }
0xe5: {  	_ =	swait.ge [sflag:s0], $0x21C0  }
0xe6: {  	[sflag:s0] =	ssyncset.done $0x0  }
0xe7: {  	[sflag:s0] =	ssyncadd.s32 $0xFFFFDE40  }
0xe8: {  	[tilespmem:s5], [sflag:$0x9] =	stream.linear.gather [spmem:s20], $0x21C0, $0x38;
	[tilespmem:$0x1DFD0] =	vst v63  }
0xe9: {  	_ =	swait.ge [sflag:s0], $0x21C0  }
0xea: {  	[sflag:s0] =	ssyncset.done $0x0  }
0xeb: {  	s25 =	rddreg [dreg:$0xc];
	[sflag:s0] =	ssyncadd.s32 $0xFFFFDE40  }
0xec: {  	[hbm4b:s25+s3] =	stream.linear.scatter [tilespmem:s5], [sflag:$0x9], $0x21C0, $0x38;
	[tilespmem:$0x1DFD0] =	vst v63  }
0xed: {  	_ =	swait.ge [sflag:s0], $0x21C0  }
0xee: {  	[sflag:s0] =	ssyncset.done $0x0  }
0xef: {  	[sflag:s0] =	ssyncadd.s32 $0xFFFFDE40  }
0xf0: {  	[tilespmem:s5], [sflag:$0x9] =	stream.linear.gather [spmem:s21], $0x21C0, $0x38;
	[tilespmem:$0x1DFD0] =	vst v63  }
0xf1: {  	_ =	swait.ge [sflag:s0], $0x21C0  }
0xf2: {  	[sflag:s0] =	ssyncset.done $0x0  }
0xf3: {  	s26 =	rddreg [dreg:$0xd];
	[sflag:s0] =	ssyncadd.s32 $0xFFFFDE40  }
0xf4: {  	[hbm4b:s26+s3] =	stream.linear.scatter [tilespmem:s5], [sflag:$0x9], $0x21C0, $0x38;
	[tilespmem:$0x1DFD0] =	vst v63  }
0xf5: {  	_ =	swait.ge [sflag:s0], $0x21C0  }
0xf6: {  	[sflag:s0] =	ssyncset.done $0x0  }
0xf7: {  	[sflag:s0] =	ssyncadd.s32 $0xFFFFDE40  }
0xf8: {  	[tilespmem:s5], [sflag:$0x9] =	stream.linear.gather [spmem:s22], $0x21C0, $0x38;
	[tilespmem:$0x1DFD0] =	vst v63  }
0xf9: {  	_ =	swait.ge [sflag:s0], $0x21C0  }
0xfa: {  	[sflag:s0] =	ssyncset.done $0x0  }
0xfb: {  	s25 =	rddreg [dreg:$0xe];
	[sflag:s0] =	ssyncadd.s32 $0xFFFFDE40  }
0xfc: {  	[hbm4b:s25+s3] =	stream.linear.scatter [tilespmem:s5], [sflag:$0x9], $0x21C0, $0x38;
	[tilespmem:$0x1DFD0] =	vst v63  }
0xfd: {  	_ =	swait.ge [sflag:s0], $0x21C0  }
0xfe: {  	[sflag:s0] =	ssyncset.done $0x0  }
0xff: {  	[sflag:s0] =	ssyncadd.s32 $0xFFFFDE40  }
0x100: {  	[tilespmem:s5], [sflag:$0x9] =	stream.linear.gather [spmem:s30], $0x708, $0x38;
	[tilespmem:$0x1DFD0] =	vst v63  }
0x101: {  	s24 =	sadd.s32 $0x1, s24;
	_ =	swait.ge [sflag:s0], $0x708  }
0x102: {  	p0 =	sne.s32 s24, s31;
	[sflag:s0] =	ssyncset.done $0x0  }
.Ltmp1:
0x103: {  	s26 =	rddreg [dreg:$0xf];
	[sflag:s0] =	ssyncadd.s32 $0xFFFFF8F8;
	(pc) =	sbr.rel @p0 .LBB2_1-.Ltmp1, $4  }
0x104: {  	[hbm4b:s26+s3] =	stream.linear.scatter [tilespmem:s5], [sflag:$0x9], $0x708, $0x38;
	[tilespmem:$0x1DFD0] =	vst v63  }
0x105: {  	_ =	swait.ge [sflag:s0], $0x708  }
0x106: {  	[sflag:s0] =	ssyncset.done $0x0  }
0x107: {  	[sflag:s0] =	ssyncadd.s32 $0xFFFFF8F8  }
0x108: {  	_ =	sfence.sel $0x180000  }
0x109: {  	[bflag:$0x0] =	sbarrier.arrive $0xFFFF  }
0x10a: {  	_ =	strace $0x90000047  }
0x10b: {  	s0 =	stileid.u32;
	[bflag:$0x2] =	sbarrier.arrive $0xFFFF  }
0x10c: {  	p0 =	sne.s32 s0, $0x0;
	s0 =	rddreg [dreg:$0x3]  }
0x10d: {  	s0 =	sadd.s32 @!p0 $0x100000, s0  }
0x10e: {  	[sflag:s0] =	ssyncadd.tile.s32 @!p0 $0x1;
	_ =	shalt  }
.Lfunc_end2:
_tile_overlayer_lowered:
.L_overlay_start_2:
0x10f: {  	(tag) =	ssettag $0x2  }
0x110: {  	s0 =	rddreg [dreg:$0x0];
	s2 =	stileid.u32  }
0x111: {  	s1 =	rddreg [dreg:$0x1];
	p0 =	sne.s32 s2, $0x0  }
0x112: {  	s3 =	rddreg [dreg:$0x2];
	[bflag:$0x3] =	sbarrier.arrive $0xFFFF;
	s2 =	simm.s32 @!p0 $0x1C09  }
0x113: {  	[timem:s3], [sflag:s2] =	dma.local @!p0 [hbm:s0], s1  }
0x114: {  	s0 =	simm.s32 @!p0 $0x9  }
0x115: {  	_ =	swait.ge @!p0 [sflag:s0], s1  }
0x116: {  	s1 =	ssub.s32 @!p0 $0x0, s1;
	[sflag:s0] =	ssyncset.done @!p0 $0x0  }
0x117: {  	[sflag:s0] =	ssyncadd.s32 @!p0 s1  }
0x118: {  	[bflag:$0x3] =	sbarrier.arrive $0xFFFF  }
0x119: {  	_ =	shalt  }

</sc_bundles>
